<compile_context>
chip_gen: v7x
topology: tpu7x:2x2x1
jax: 0.10.2.dev20260603
libtpu: 0.0.44.dev20260713+nightly
codegen_flags: <defaults>
</compile_context>

<pallas_src>
import functools

import jax
import jax.numpy as jnp
import numpy as np
from jax import lax
from jax.experimental import pallas as pl
from jax.experimental.pallas import tpu as pltpu
from jax.experimental.pallas import tpu_sc as plsc

B, T, K, D = 8, 576, 512, 64
N = B * T
NIDX = 2 * N
DIMS0 = (((0,), (0,)), ((), ()))


def _aug_ct(ct):
    c2 = jnp.sum(ct * ct, axis=0, keepdims=True)
    return jnp.concatenate([-2.0 * ct, c2], axis=0)


def _aug_z(ab):
    ones_row = jnp.ones((1, T), jnp.float32)
    return jnp.concatenate([ab, ones_row], axis=0)


def _split(x):
    hi = x.astype(jnp.bfloat16)
    lo = (x - hi.astype(jnp.float32)).astype(jnp.bfloat16)
    return hi, lo


def _topk_body(zbd_ref, ct_ref, idx_ref, ifl_ref, pair_ref):
    ct = ct_ref[...]
    ctaug = _aug_ct(ct)
    ch, cl = _split(ctaug)
    iota_f = lax.broadcasted_iota(jnp.int32, (T, K), 1).astype(jnp.float32)
    for b in range(B):
        ab = zbd_ref[b * D:(b + 1) * D, :]
        zaug = _aug_z(ab)
        zh, zl = _split(zaug)
        cross = (lax.dot_general(zh, ch, DIMS0, preferred_element_type=jnp.float32)
                 + (lax.dot_general(zh, cl, DIMS0, preferred_element_type=jnp.float32)
                    + lax.dot_general(zl, ch, DIMS0, preferred_element_type=jnp.float32)))
        z2 = jnp.transpose(jnp.sum(ab * ab, axis=0, keepdims=True))
        dist = z2 + cross
        m1 = jnp.min(dist, axis=1, keepdims=True)
        a1f = jnp.min(jnp.where(dist == m1, iota_f, np.float32(K)),
                      axis=1, keepdims=True)
        dm = jnp.where(iota_f == a1f, jnp.inf, dist)
        m2 = jnp.min(dm, axis=1, keepdims=True)
        a2f = jnp.min(jnp.where(dm == m2, iota_f, np.float32(K)),
                      axis=1, keepdims=True)
        both = jnp.concatenate([a1f, a2f], axis=1)
        bi = jnp.transpose(both).astype(jnp.int32)
        idx_ref[:, b, :] = bi
        ifl_ref[0:1, pl.ds(b * T, T)] = bi[0:1, :]
        ifl_ref[0:1, pl.ds(N + b * T, T)] = bi[1:2, :]
    c_rows = jnp.transpose(ct)
    pair_ref[...] = jnp.concatenate([c_rows, c_rows], axis=1)


_topk_call = pl.pallas_call(
    _topk_body,
    out_shape=(
        jax.ShapeDtypeStruct((2, B, T), jnp.int32),
        jax.ShapeDtypeStruct((1, NIDX), jnp.int32),
        jax.ShapeDtypeStruct((K, 2 * D), jnp.float32),
    ),
)


@functools.cache
def _gather_call():
    info = plsc.get_sparse_core_info()
    nw = info.num_cores * info.num_subcores
    rows_per_w = NIDX // nw
    mesh = plsc.VectorSubcoreMesh(core_axis_name="c", subcore_axis_name="s")

    @functools.partial(
        pl.kernel,
        mesh=mesh,
        out_type=jax.ShapeDtypeStruct((NIDX, 2 * D), jnp.float32),
        scratch_types=[
            pltpu.VMEM((rows_per_w,), jnp.int32),
            pltpu.VMEM((rows_per_w, 2 * D), jnp.float32),
            pltpu.SemaphoreType.DMA,
        ],
    )
    def gather_k(table_hbm, idx_hbm, out_hbm, idx_v, rows_v, sem):
        wid = lax.axis_index("s") * info.num_cores + lax.axis_index("c")
        base = wid * rows_per_w
        pltpu.sync_copy(idx_hbm.at[pl.ds(base, rows_per_w)], idx_v)
        pltpu.async_copy(table_hbm.at[idx_v], rows_v, sem).wait()
        pltpu.sync_copy(rows_v, out_hbm.at[pl.ds(base, rows_per_w)])

    return gather_k


def _dist_body(zbd_ref, ct_ref, dist_ref, ze_ref, ct_out_ref):
    ct = ct_ref[...]
    ctaug = _aug_ct(ct).astype(jnp.bfloat16)
    for b in range(B):
        ab = zbd_ref[b * D:(b + 1) * D, :]
        cross = lax.dot_general(_aug_z(ab).astype(jnp.bfloat16), ctaug,
                                DIMS0, preferred_element_type=jnp.float32)
        z2 = jnp.transpose(jnp.sum(ab * ab, axis=0, keepdims=True))
        dist_ref[b, :, :] = z2 + cross
        ze_ref[b, :, :] = ab
    ct_out_ref[...] = ct


_dist_call = pl.pallas_call(
    _dist_body,
    out_shape=(
        jax.ShapeDtypeStruct((B, T, K), jnp.float32),
        jax.ShapeDtypeStruct((B, D, T), jnp.float32),
        jax.ShapeDtypeStruct((D, K), jnp.float32),
    ),
)


def _ref_order_dist(zt, rt):
    diff = zt - rt
    prod = (diff * diff).reshape(8, 8, T)
    a = prod[:, 0:4, :] + prod[:, 4:8, :]
    b = a[:, 0:2, :] + a[:, 2:4, :]
    g = (b[:, 0:1, :] + b[:, 1:2, :]).reshape(8, T)
    s = g[0:1, :]
    for j in range(1, 8):
        s = s + g[j:j + 1, :]
    return s


def _refine_body(zbd_ref, rows_ref, idx_ref,
                 q_ref, ek_ref, zq_ref, perp_ref):
    iota_kr = lax.broadcasted_iota(jnp.int32, (K, T), 0)
    counts = jnp.zeros((K, 1), jnp.float32)
    for b in range(B):
        ab = zbd_ref[b * D:(b + 1) * D, :]
        r1t = jnp.transpose(rows_ref[b * T:(b + 1) * T, 0:D])
        r2t = jnp.transpose(rows_ref[N + b * T:N + (b + 1) * T, 0:D])
        d1 = _ref_order_dist(ab, r1t)
        d2 = _ref_order_dist(ab, r2t)
        a1 = idx_ref[0:1, b, :]
        a2 = idx_ref[1:2, b, :]
        pick2 = (d2 < d1) | ((d2 == d1) & (a2 < a1))
        q = jnp.where(pick2, a2, a1)
        q_ref[b:b + 1, :] = q
        ek = jnp.where(pick2, r2t, r1t)
        ek_ref[b, :, :] = ek
        zq_ref[b, :, :] = ab + (ek - ab)
        onehot = (iota_kr == q).astype(jnp.float32)
        counts = counts + jnp.sum(onehot, axis=1, keepdims=True)
    avg = counts / np.float32(N)
    ent = jnp.sum(avg * jnp.log(avg + 1e-10), axis=0, keepdims=True)
    perp_ref[...] = jnp.exp(-ent)


_refine_call = pl.pallas_call(
    _refine_body,
    out_shape=(
        jax.ShapeDtypeStruct((B, T), jnp.int32),
        jax.ShapeDtypeStruct((B, D, T), jnp.float32),
        jax.ShapeDtypeStruct((B, D, T), jnp.float32),
        jax.ShapeDtypeStruct((1, 1), jnp.float32),
    ),
)


def kernel(z_e, codebook):
    zbd = jnp.transpose(z_e, (0, 2, 1)).reshape(B * D, T)
    ct = jnp.transpose(codebook)

    idx3, idxflat, pairtab = _topk_call(zbd, ct)
    rows = _gather_call()(pairtab, idxflat.reshape(NIDX))
    dist, ze3, ct_o = _dist_call(zbd, ct)
    q, ek3, zq3, perp = _refine_call(zbd, rows, idx3)

    return (jnp.transpose(ze3, (0, 2, 1)),
            jnp.transpose(ct_o),
            dist,
            q,
            perp.reshape(()),
            jnp.transpose(ek3, (0, 2, 1)),
            jnp.transpose(zq3, (0, 2, 1)))

# --- scband reference (transcript-rebuilt; emitter-appended) ---
"""Pipeline reference for scband-vq-28054726377848 (READ-ONLY COPY).

The authoritative reference and input builder live on the scoring server;
editing this copy changes nothing except your own understanding.
"""

import jax, jax.numpy as jnp
import numpy as np

K = 512
D = 64
B = 8
T = 576

def setup_inputs(seed: int = 0) -> dict:
    key = jax.random.key(seed)
    k1, k2 = jax.random.split(key)
    z_e = jax.random.normal(k1, (B, T, D), dtype=jnp.float32)
    # HeNormal init: std = sqrt(2 / fan_in), fan_in = latent_dim
    codebook = jax.random.normal(k2, (K, D), dtype=jnp.float32) * jnp.sqrt(2.0 / D)
    return {"z_e": z_e, "codebook": codebook}

def reference(z_e, codebook):
    # distances: sum over last dim of (z_e[..., None, :] - codebook)^2 -> (B, T, K)
    expanded_ze = z_e[..., None, :]
    distances = jnp.sum((expanded_ze - codebook) ** 2, axis=-1)
    q_z_x = jnp.argmin(distances, axis=-1).astype(jnp.int32)
    e_k = jnp.take(codebook, q_z_x, axis=0)
    z_q = z_e + jax.lax.stop_gradient(e_k - z_e)
    encodings = jax.nn.one_hot(q_z_x.reshape(-1), K, dtype=jnp.float32)
    avg_probs = jnp.mean(encodings, axis=0)
    perplexity = jnp.exp(-jnp.sum(avg_probs * jnp.log(avg_probs + 1e-10)))
    return (z_e, codebook, distances, q_z_x, perplexity, e_k, z_q)

if __name__ == "__main__":
    import jax
    _d = setup_inputs()
    print(jax.jit(kernel)(*tuple(_d.values())))

</pallas_src>

<mosaic_0001>
#map = affine_map<(d0, d1) -> (0, 0)>
#map1 = affine_map<(d0, d1) -> (0)>
module attributes {stable_mosaic.version = 14 : i64} {
  func.func @gather_k(%arg0: i32, %arg1: i32, %arg2: memref<512x128xf32, #tpu.memory_space<hbm>>, %arg3: memref<9216xi32, #tpu.memory_space<hbm>>, %arg4: memref<9216x128xf32, #tpu.memory_space<hbm>>, %arg5: memref<288xi32, #tpu.memory_space<vmem>>, %arg6: memref<288x128xf32, #tpu.memory_space<vmem>>, %arg7: memref<!tpu.dma_semaphore, #tpu.memory_space<semaphore_mem>>) attributes {dimension_semantics = [#tpu.dimension_semantics<core_parallel>, #tpu.dimension_semantics<subcore_parallel>], iteration_bounds = array<i64: 2, 16>, scalar_prefetch = 0 : i64, scratch_operands = 3 : i64, tpu.core_type = #tpu.core_type<sc_vector_subcore>, window_params = [{transform_indices = #map}, {transform_indices = #map1}, {transform_indices = #map}]} {
    %mul3A = arith.constant 2 : i32
    %mul3A_0 = arith.muli %arg1, %mul3A : i32
    %add3A = arith.addi %mul3A_0, %arg0 : i32
    %mul3A_1 = arith.constant 288 : i32
    %mul3A_2 = arith.muli %add3A, %mul3A_1 : i32
    "tpu.region"() ({
      %run_scoped3A = tpu.sem_alloc : memref<!tpu.dma_semaphore, #tpu.memory_space<semaphore_mem>>
      %dma_start3A_7 = tpu.memref_slice %arg3[%mul3A_2] : memref<9216xi32, #tpu.memory_space<hbm>> -> memref<288xi32, #tpu.memory_space<hbm>>
      %dma_start3A_8 = tpu.memref_slice %arg3[%mul3A_2] : memref<9216xi32, #tpu.memory_space<hbm>> -> memref<288xi32, #tpu.memory_space<hbm>>
      tpu.enqueue_dma source(%dma_start3A_8 : memref<288xi32, #tpu.memory_space<hbm>>) target(%arg5 : memref<288xi32, #tpu.memory_space<vmem>>) target_semaphore(%run_scoped3A : memref<!tpu.dma_semaphore, #tpu.memory_space<semaphore_mem>>)
      %dma_wait3A_9 = tpu.memref_slice %arg3[%mul3A_2] : memref<9216xi32, #tpu.memory_space<hbm>> -> memref<288xi32, #tpu.memory_space<hbm>>
      %dma_wait3A_10 = tpu.memref_slice %arg3[%mul3A_2] : memref<9216xi32, #tpu.memory_space<hbm>> -> memref<288xi32, #tpu.memory_space<hbm>>
      tpu.wait_dma2 semaphore(%run_scoped3A : memref<!tpu.dma_semaphore, #tpu.memory_space<semaphore_mem>>) src(%dma_wait3A_10 : memref<288xi32, #tpu.memory_space<hbm>>) dst(%arg5 : memref<288xi32, #tpu.memory_space<vmem>>)
      tpu.yield
    }) : () -> ()
    %dma_start3A = arith.constant 0 : i32
    %dma_start3A_3 = arith.constant 0 : i32
    %dma_start3A_4 = tpu.memref_slice %arg2[%dma_start3A, %dma_start3A_3] : memref<512x128xf32, #tpu.memory_space<hbm>> -> memref<512x128xf32, #tpu.memory_space<hbm>>
    tpu.enqueue_indirect_dma source(%dma_start3A_4 : memref<512x128xf32, #tpu.memory_space<hbm>>) target(%arg6 : memref<288x128xf32, #tpu.memory_space<vmem>>) offsets(%arg5 : memref<288xi32, #tpu.memory_space<vmem>>) semaphore(%arg7 : memref<!tpu.dma_semaphore, #tpu.memory_space<semaphore_mem>>)
    %dma_wait3A = arith.constant 0 : i32
    %dma_wait3A_5 = arith.constant 0 : i32
    %dma_wait3A_6 = tpu.memref_slice %arg2[%dma_wait3A, %dma_wait3A_5] : memref<512x128xf32, #tpu.memory_space<hbm>> -> memref<512x128xf32, #tpu.memory_space<hbm>>
    tpu.wait_indirect_dma semaphore(%arg7 : memref<!tpu.dma_semaphore, #tpu.memory_space<semaphore_mem>>) src(%dma_wait3A_6 : memref<512x128xf32, #tpu.memory_space<hbm>>) dst(%arg6 : memref<288x128xf32, #tpu.memory_space<vmem>>)
    "tpu.region"() ({
      %run_scoped3A = tpu.sem_alloc : memref<!tpu.dma_semaphore, #tpu.memory_space<semaphore_mem>>
      %dma_start3A_7 = arith.constant 0 : i32
      %dma_start3A_8 = tpu.memref_slice %arg4[%mul3A_2, %dma_start3A_7] : memref<9216x128xf32, #tpu.memory_space<hbm>> -> memref<288x128xf32, #tpu.memory_space<hbm>>
      %dma_start3A_9 = arith.constant 0 : i32
      %dma_start3A_10 = tpu.memref_slice %arg4[%mul3A_2, %dma_start3A_9] : memref<9216x128xf32, #tpu.memory_space<hbm>> -> memref<288x128xf32, #tpu.memory_space<hbm>>
      tpu.enqueue_dma source(%arg6 : memref<288x128xf32, #tpu.memory_space<vmem>>) target(%dma_start3A_10 : memref<288x128xf32, #tpu.memory_space<hbm>>) target_semaphore(%run_scoped3A : memref<!tpu.dma_semaphore, #tpu.memory_space<semaphore_mem>>)
      %dma_wait3A_11 = arith.constant 0 : i32
      %dma_wait3A_12 = tpu.memref_slice %arg4[%mul3A_2, %dma_wait3A_11] : memref<9216x128xf32, #tpu.memory_space<hbm>> -> memref<288x128xf32, #tpu.memory_space<hbm>>
      %dma_wait3A_13 = arith.constant 0 : i32
      %dma_wait3A_14 = tpu.memref_slice %arg4[%mul3A_2, %dma_wait3A_13] : memref<9216x128xf32, #tpu.memory_space<hbm>> -> memref<288x128xf32, #tpu.memory_space<hbm>>
      tpu.wait_dma2 semaphore(%run_scoped3A : memref<!tpu.dma_semaphore, #tpu.memory_space<semaphore_mem>>) src(%arg6 : memref<288x128xf32, #tpu.memory_space<vmem>>) dst(%dma_wait3A_14 : memref<288x128xf32, #tpu.memory_space<hbm>>)
      tpu.yield
    }) : () -> ()
    return
  }
}

module attributes {stable_mosaic.version = 14 : i64} {
  func.func @_topk_body(%arg0: memref<512x576xf32, #tpu.memory_space<vmem>>, %arg1: memref<64x512xf32, #tpu.memory_space<vmem>>, %arg2: memref<2x8x576xi32, #tpu.memory_space<vmem>>, %arg3: memref<1x9216xi32, #tpu.memory_space<vmem>>, %arg4: memref<512x128xf32, #tpu.memory_space<vmem>>) attributes {dimension_semantics = [], scalar_prefetch = 0 : i64, scratch_operands = 0 : i64, tpu.core_type = #tpu.core_type<tc>} {
    %get3A = arith.constant 0 : index
    %get3A_0 = arith.constant 0 : index
    %get3A_1 = vector.load %arg1[%get3A, %get3A_0] : memref<64x512xf32, #tpu.memory_space<vmem>>, vector<64x512xf32>
    %mul3A = arith.mulf %get3A_1, %get3A_1 : vector<64x512xf32>
    %reduce_sum3A = arith.constant dense<0.000000e+00> : vector<512xf32>
    %reduce_sum3A_2 = vector.multi_reduction <add>, %mul3A, %reduce_sum3A [0] : vector<64x512xf32> to vector<512xf32>
    %broadcast_in_dim3A = vector.shape_cast %reduce_sum3A_2 : vector<512xf32> to vector<1x512xf32>
    %mul3A_3 = arith.constant -2.000000e+00 : f32
    %mul3A_4 = vector.broadcast %mul3A_3 : f32 to vector<64x512xf32>
    %mul3A_5 = arith.mulf %mul3A_4, %get3A_1 : vector<64x512xf32>
    %concatenate3A = tpu.concatenate %mul3A_5, %broadcast_in_dim3A in 0 : vector<64x512xf32>, vector<1x512xf32> -> vector<65x512xf32>
    %convert_element_type3A = arith.truncf %concatenate3A : vector<65x512xf32> to vector<65x512xbf16>
    %convert_element_type3A_6 = arith.extf %convert_element_type3A : vector<65x512xbf16> to vector<65x512xf32>
    %sub3A = arith.subf %concatenate3A, %convert_element_type3A_6 : vector<65x512xf32>
    %convert_element_type3A_7 = arith.truncf %sub3A : vector<65x512xf32> to vector<65x512xbf16>
    %iota3A = tpu.iota {dimensions = array<i32: 1>} : vector<576x512xi32>
    %convert_element_type3A_8 = arith.sitofp %iota3A : vector<576x512xi32> to vector<576x512xf32>
    %get3A_9 = arith.constant 0 : index
    %get3A_10 = arith.constant 0 : index
    %get3A_11 = vector.load %arg0[%get3A_9, %get3A_10] : memref<512x576xf32, #tpu.memory_space<vmem>>, vector<64x576xf32>
    %broadcast_in_dim3A_12 = arith.constant 1.000000e+00 : f32
    %broadcast_in_dim3A_13 = vector.broadcast %broadcast_in_dim3A_12 : f32 to vector<1x576xf32>
    %concatenate3A_14 = tpu.concatenate %get3A_11, %broadcast_in_dim3A_13 in 0 : vector<64x576xf32>, vector<1x576xf32> -> vector<65x576xf32>
    %convert_element_type3A_15 = arith.truncf %concatenate3A_14 : vector<65x576xf32> to vector<65x576xbf16>
    %convert_element_type3A_16 = arith.extf %convert_element_type3A_15 : vector<65x576xbf16> to vector<65x576xf32>
    %sub3A_17 = arith.subf %concatenate3A_14, %convert_element_type3A_16 : vector<65x576xf32>
    %convert_element_type3A_18 = arith.truncf %sub3A_17 : vector<65x576xf32> to vector<65x576xbf16>
    %dot_general3A = arith.constant dense<0.000000e+00> : vector<576x512xf32>
    %dot_general3A_19 = tpu.matmul %convert_element_type3A_15, %convert_element_type3A, %dot_general3A {dimension_numbers = #tpu.dot_dimension_numbers<[0], [0], [1], [1], [0, 1, 1, 1], [], []>, transpose_lhs_hint = false} : vector<65x576xbf16>, vector<65x512xbf16>, vector<576x512xf32> -> vector<576x512xf32>
    %dot_general3A_20 = arith.constant dense<0.000000e+00> : vector<576x512xf32>
    %dot_general3A_21 = tpu.matmul %convert_element_type3A_15, %convert_element_type3A_7, %dot_general3A_20 {dimension_numbers = #tpu.dot_dimension_numbers<[0], [0], [1], [1], [0, 1, 1, 1], [], []>, transpose_lhs_hint = false} : vector<65x576xbf16>, vector<65x512xbf16>, vector<576x512xf32> -> vector<576x512xf32>
    %dot_general3A_22 = arith.constant dense<0.000000e+00> : vector<576x512xf32>
    %dot_general3A_23 = tpu.matmul %convert_element_type3A_18, %convert_element_type3A, %dot_general3A_22 {dimension_numbers = #tpu.dot_dimension_numbers<[0], [0], [1], [1], [0, 1, 1, 1], [], []>, transpose_lhs_hint = false} : vector<65x576xbf16>, vector<65x512xbf16>, vector<576x512xf32> -> vector<576x512xf32>
    %add3A = arith.addf %dot_general3A_21, %dot_general3A_23 : vector<576x512xf32>
    %add3A_24 = arith.addf %dot_general3A_19, %add3A : vector<576x512xf32>
    %mul3A_25 = arith.mulf %get3A_11, %get3A_11 : vector<64x576xf32>
    %reduce_sum3A_26 = arith.constant dense<0.000000e+00> : vector<576xf32>
    %reduce_sum3A_27 = vector.multi_reduction <add>, %mul3A_25, %reduce_sum3A_26 [0] : vector<64x576xf32> to vector<576xf32>
    %broadcast_in_dim3A_28 = vector.shape_cast %reduce_sum3A_27 : vector<576xf32> to vector<1x576xf32>
    %transpose3A = tpu.transpose %broadcast_in_dim3A_28, [1, 0] : vector<1x576xf32> -> vector<576x1xf32>
    %add3A_29 = vector.broadcast %transpose3A : vector<576x1xf32> to vector<576x512xf32>
    %add3A_30 = arith.addf %add3A_29, %add3A_24 : vector<576x512xf32>
    %reduce_min3A = arith.constant dense<0x7F800000> : vector<576xf32>
    %reduce_min3A_31 = vector.multi_reduction <minimumf>, %add3A_30, %reduce_min3A [1] : vector<576x512xf32> to vector<576xf32>
    %broadcast_in_dim3A_32 = vector.shape_cast %reduce_min3A_31 : vector<576xf32> to vector<576x1xf32>
    %eq3A = vector.broadcast %broadcast_in_dim3A_32 : vector<576x1xf32> to vector<576x512xf32>
    %eq3A_33 = arith.cmpf oeq, %add3A_30, %eq3A : vector<576x512xf32>
    %jit3A = arith.constant 5.120000e+02 : f32
    %broadcast_in_dim3A_34 = vector.broadcast %jit3A : f32 to vector<576x512xf32>
    %select_n3A = arith.select %eq3A_33, %convert_element_type3A_8, %broadcast_in_dim3A_34 : vector<576x512xi1>, vector<576x512xf32>
    %reduce_min3A_35 = arith.constant dense<0x7F800000> : vector<576xf32>
    %reduce_min3A_36 = vector.multi_reduction <minimumf>, %select_n3A, %reduce_min3A_35 [1] : vector<576x512xf32> to vector<576xf32>
    %broadcast_in_dim3A_37 = vector.shape_cast %reduce_min3A_36 : vector<576xf32> to vector<576x1xf32>
    %eq3A_38 = vector.broadcast %broadcast_in_dim3A_37 : vector<576x1xf32> to vector<576x512xf32>
    %eq3A_39 = arith.cmpf oeq, %convert_element_type3A_8, %eq3A_38 : vector<576x512xf32>
    %jit3A_40 = arith.constant 0x7F800000 : f32
    %broadcast_in_dim3A_41 = vector.broadcast %jit3A_40 : f32 to vector<576x512xf32>
    %select_n3A_42 = arith.select %eq3A_39, %broadcast_in_dim3A_41, %add3A_30 : vector<576x512xi1>, vector<576x512xf32>
    %reduce_min3A_43 = arith.constant dense<0x7F800000> : vector<576xf32>
    %reduce_min3A_44 = vector.multi_reduction <minimumf>, %select_n3A_42, %reduce_min3A_43 [1] : vector<576x512xf32> to vector<576xf32>
    %broadcast_in_dim3A_45 = vector.shape_cast %reduce_min3A_44 : vector<576xf32> to vector<576x1xf32>
    %eq3A_46 = vector.broadcast %broadcast_in_dim3A_45 : vector<576x1xf32> to vector<576x512xf32>
    %eq3A_47 = arith.cmpf oeq, %select_n3A_42, %eq3A_46 : vector<576x512xf32>
    %jit3A_48 = arith.constant 5.120000e+02 : f32
    %broadcast_in_dim3A_49 = vector.broadcast %jit3A_48 : f32 to vector<576x512xf32>
    %select_n3A_50 = arith.select %eq3A_47, %convert_element_type3A_8, %broadcast_in_dim3A_49 : vector<576x512xi1>, vector<576x512xf32>
    %reduce_min3A_51 = arith.constant dense<0x7F800000> : vector<576xf32>
    %reduce_min3A_52 = vector.multi_reduction <minimumf>, %select_n3A_50, %reduce_min3A_51 [1] : vector<576x512xf32> to vector<576xf32>
    %broadcast_in_dim3A_53 = vector.shape_cast %reduce_min3A_52 : vector<576xf32> to vector<576x1xf32>
    %concatenate3A_54 = tpu.concatenate %broadcast_in_dim3A_37, %broadcast_in_dim3A_53 in 1 : vector<576x1xf32>, vector<576x1xf32> -> vector<576x2xf32>
    %transpose3A_55 = tpu.transpose %concatenate3A_54, [1, 0] : vector<576x2xf32> -> vector<2x576xf32>
    %convert_element_type3A_56 = arith.fptosi %transpose3A_55 : vector<2x576xf32> to vector<2x576xi32>
    %swap3A = arith.constant 0 : index
    %swap3A_57 = arith.constant 0 : index
    %swap3A_58 = arith.constant 0 : index
    %swap3A_59 = vector.load %arg2[%swap3A, %swap3A_57, %swap3A_58] : memref<2x8x576xi32, #tpu.memory_space<vmem>>, vector<2x1x576xi32>
    %swap3A_60 = vector.shape_cast %swap3A_59 : vector<2x1x576xi32> to vector<2x576xi32>
    %swap3A_61 = vector.shape_cast %convert_element_type3A_56 : vector<2x576xi32> to vector<2x1x576xi32>
    tpu.vector_store %arg2[%swap3A, %swap3A_57, %swap3A_58], %swap3A_61 {strides = array<i32>} : memref<2x8x576xi32, #tpu.memory_space<vmem>>, vector<2x1x576xi32>,
    %slice3A = vector.extract_strided_slice %convert_element_type3A_56 {offsets = [0, 0], sizes = [1, 576], strides = [1, 1]} : vector<2x576xi32> to vector<1x576xi32>
    %swap3A_62 = arith.constant 0 : index
    %swap3A_63 = arith.constant 0 : index
    %swap3A_64 = vector.load %arg3[%swap3A_62, %swap3A_63] : memref<1x9216xi32, #tpu.memory_space<vmem>>, vector<1x576xi32>
    tpu.vector_store %arg3[%swap3A_62, %swap3A_63], %slice3A {strides = array<i32>} : memref<1x9216xi32, #tpu.memory_space<vmem>>, vector<1x576xi32>,
    %slice3A_65 = vector.extract_strided_slice %convert_element_type3A_56 {offsets = [1, 0], sizes = [1, 576], strides = [1, 1]} : vector<2x576xi32> to vector<1x576xi32>
    %swap3A_66 = arith.constant 0 : index
    %swap3A_67 = arith.constant 4608 : index
    %swap3A_68 = vector.load %arg3[%swap3A_66, %swap3A_67] : memref<1x9216xi32, #tpu.memory_space<vmem>>, vector<1x576xi32>
    tpu.vector_store %arg3[%swap3A_66, %swap3A_67], %slice3A_65 {strides = array<i32>} : memref<1x9216xi32, #tpu.memory_space<vmem>>, vector<1x576xi32>,
    %get3A_69 = arith.constant 64 : index
    %get3A_70 = arith.constant 0 : index
    %get3A_71 = vector.load %arg0[%get3A_69, %get3A_70] : memref<512x576xf32, #tpu.memory_space<vmem>>, vector<64x576xf32>
    %broadcast_in_dim3A_72 = arith.constant 1.000000e+00 : f32
    %broadcast_in_dim3A_73 = vector.broadcast %broadcast_in_dim3A_72 : f32 to vector<1x576xf32>
    %concatenate3A_74 = tpu.concatenate %get3A_71, %broadcast_in_dim3A_73 in 0 : vector<64x576xf32>, vector<1x576xf32> -> vector<65x576xf32>
    %convert_element_type3A_75 = arith.truncf %concatenate3A_74 : vector<65x576xf32> to vector<65x576xbf16>
    %convert_element_type3A_76 = arith.extf %convert_element_type3A_75 : vector<65x576xbf16> to vector<65x576xf32>
    %sub3A_77 = arith.subf %concatenate3A_74, %convert_element_type3A_76 : vector<65x576xf32>
    %convert_element_type3A_78 = arith.truncf %sub3A_77 : vector<65x576xf32> to vector<65x576xbf16>
    %dot_general3A_79 = arith.constant dense<0.000000e+00> : vector<576x512xf32>
    %dot_general3A_80 = tpu.matmul %convert_element_type3A_75, %convert_element_type3A, %dot_general3A_79 {dimension_numbers = #tpu.dot_dimension_numbers<[0], [0], [1], [1], [0, 1, 1, 1], [], []>, transpose_lhs_hint = false} : vector<65x576xbf16>, vector<65x512xbf16>, vector<576x512xf32> -> vector<576x512xf32>
    %dot_general3A_81 = arith.constant dense<0.000000e+00> : vector<576x512xf32>
    %dot_general3A_82 = tpu.matmul %convert_element_type3A_75, %convert_element_type3A_7, %dot_general3A_81 {dimension_numbers = #tpu.dot_dimension_numbers<[0], [0], [1], [1], [0, 1, 1, 1], [], []>, transpose_lhs_hint = false} : vector<65x576xbf16>, vector<65x512xbf16>, vector<576x512xf32> -> vector<576x512xf32>
    %dot_general3A_83 = arith.constant dense<0.000000e+00> : vector<576x512xf32>
    %dot_general3A_84 = tpu.matmul %convert_element_type3A_78, %convert_element_type3A, %dot_general3A_83 {dimension_numbers = #tpu.dot_dimension_numbers<[0], [0], [1], [1], [0, 1, 1, 1], [], []>, transpose_lhs_hint = false} : vector<65x576xbf16>, vector<65x512xbf16>, vector<576x512xf32> -> vector<576x512xf32>
    %add3A_85 = arith.addf %dot_general3A_82, %dot_general3A_84 : vector<576x512xf32>
    %add3A_86 = arith.addf %dot_general3A_80, %add3A_85 : vector<576x512xf32>
    %mul3A_87 = arith.mulf %get3A_71, %get3A_71 : vector<64x576xf32>
    %reduce_sum3A_88 = arith.constant dense<0.000000e+00> : vector<576xf32>
    %reduce_sum3A_89 = vector.multi_reduction <add>, %mul3A_87, %reduce_sum3A_88 [0] : vector<64x576xf32> to vector<576xf32>
    %broadcast_in_dim3A_90 = vector.shape_cast %reduce_sum3A_89 : vector<576xf32> to vector<1x576xf32>
    %transpose3A_91 = tpu.transpose %broadcast_in_dim3A_90, [1, 0] : vector<1x576xf32> -> vector<576x1xf32>
    %add3A_92 = vector.broadcast %transpose3A_91 : vector<576x1xf32> to vector<576x512xf32>
    %add3A_93 = arith.addf %add3A_92, %add3A_86 : vector<576x512xf32>
    %reduce_min3A_94 = arith.constant dense<0x7F800000> : vector<576xf32>
    %reduce_min3A_95 = vector.multi_reduction <minimumf>, %add3A_93, %reduce_min3A_94 [1] : vector<576x512xf32> to vector<576xf32>
    %broadcast_in_dim3A_96 = vector.shape_cast %reduce_min3A_95 : vector<576xf32> to vector<576x1xf32>
    %eq3A_97 = vector.broadcast %broadcast_in_dim3A_96 : vector<576x1xf32> to vector<576x512xf32>
    %eq3A_98 = arith.cmpf oeq, %add3A_93, %eq3A_97 : vector<576x512xf32>
    %jit3A_99 = arith.constant 5.120000e+02 : f32
    %broadcast_in_dim3A_100 = vector.broadcast %jit3A_99 : f32 to vector<576x512xf32>
    %select_n3A_101 = arith.select %eq3A_98, %convert_element_type3A_8, %broadcast_in_dim3A_100 : vector<576x512xi1>, vector<576x512xf32>
    %reduce_min3A_102 = arith.constant dense<0x7F800000> : vector<576xf32>
    %reduce_min3A_103 = vector.multi_reduction <minimumf>, %select_n3A_101, %reduce_min3A_102 [1] : vector<576x512xf32> to vector<576xf32>
    %broadcast_in_dim3A_104 = vector.shape_cast %reduce_min3A_103 : vector<576xf32> to vector<576x1xf32>
    %eq3A_105 = vector.broadcast %broadcast_in_dim3A_104 : vector<576x1xf32> to vector<576x512xf32>
    %eq3A_106 = arith.cmpf oeq, %convert_element_type3A_8, %eq3A_105 : vector<576x512xf32>
    %jit3A_107 = arith.constant 0x7F800000 : f32
    %broadcast_in_dim3A_108 = vector.broadcast %jit3A_107 : f32 to vector<576x512xf32>
    %select_n3A_109 = arith.select %eq3A_106, %broadcast_in_dim3A_108, %add3A_93 : vector<576x512xi1>, vector<576x512xf32>
    %reduce_min3A_110 = arith.constant dense<0x7F800000> : vector<576xf32>
    %reduce_min3A_111 = vector.multi_reduction <minimumf>, %select_n3A_109, %reduce_min3A_110 [1] : vector<576x512xf32> to vector<576xf32>
    %broadcast_in_dim3A_112 = vector.shape_cast %reduce_min3A_111 : vector<576xf32> to vector<576x1xf32>
    %eq3A_113 = vector.broadcast %broadcast_in_dim3A_112 : vector<576x1xf32> to vector<576x512xf32>
    %eq3A_114 = arith.cmpf oeq, %select_n3A_109, %eq3A_113 : vector<576x512xf32>
    %jit3A_115 = arith.constant 5.120000e+02 : f32
    %broadcast_in_dim3A_116 = vector.broadcast %jit3A_115 : f32 to vector<576x512xf32>
    %select_n3A_117 = arith.select %eq3A_114, %convert_element_type3A_8, %broadcast_in_dim3A_116 : vector<576x512xi1>, vector<576x512xf32>
    %reduce_min3A_118 = arith.constant dense<0x7F800000> : vector<576xf32>
    %reduce_min3A_119 = vector.multi_reduction <minimumf>, %select_n3A_117, %reduce_min3A_118 [1] : vector<576x512xf32> to vector<576xf32>
    %broadcast_in_dim3A_120 = vector.shape_cast %reduce_min3A_119 : vector<576xf32> to vector<576x1xf32>
    %concatenate3A_121 = tpu.concatenate %broadcast_in_dim3A_104, %broadcast_in_dim3A_120 in 1 : vector<576x1xf32>, vector<576x1xf32> -> vector<576x2xf32>
    %transpose3A_122 = tpu.transpose %concatenate3A_121, [1, 0] : vector<576x2xf32> -> vector<2x576xf32>
    %convert_element_type3A_123 = arith.fptosi %transpose3A_122 : vector<2x576xf32> to vector<2x576xi32>
    %swap3A_124 = arith.constant 0 : index
    %swap3A_125 = arith.constant 1 : index
    %swap3A_126 = arith.constant 0 : index
    %swap3A_127 = vector.load %arg2[%swap3A_124, %swap3A_125, %swap3A_126] : memref<2x8x576xi32, #tpu.memory_space<vmem>>, vector<2x1x576xi32>
    %swap3A_128 = vector.shape_cast %swap3A_127 : vector<2x1x576xi32> to vector<2x576xi32>
    %swap3A_129 = vector.shape_cast %convert_element_type3A_123 : vector<2x576xi32> to vector<2x1x576xi32>
    tpu.vector_store %arg2[%swap3A_124, %swap3A_125, %swap3A_126], %swap3A_129 {strides = array<i32>} : memref<2x8x576xi32, #tpu.memory_space<vmem>>, vector<2x1x576xi32>,
    %slice3A_130 = vector.extract_strided_slice %convert_element_type3A_123 {offsets = [0, 0], sizes = [1, 576], strides = [1, 1]} : vector<2x576xi32> to vector<1x576xi32>
    %swap3A_131 = arith.constant 0 : index
    %swap3A_132 = arith.constant 576 : index
    %swap3A_133 = vector.load %arg3[%swap3A_131, %swap3A_132] : memref<1x9216xi32, #tpu.memory_space<vmem>>, vector<1x576xi32>
    tpu.vector_store %arg3[%swap3A_131, %swap3A_132], %slice3A_130 {strides = array<i32>} : memref<1x9216xi32, #tpu.memory_space<vmem>>, vector<1x576xi32>,
    %slice3A_134 = vector.extract_strided_slice %convert_element_type3A_123 {offsets = [1, 0], sizes = [1, 576], strides = [1, 1]} : vector<2x576xi32> to vector<1x576xi32>
    %swap3A_135 = arith.constant 0 : index
    %swap3A_136 = arith.constant 5184 : index
    %swap3A_137 = vector.load %arg3[%swap3A_135, %swap3A_136] : memref<1x9216xi32, #tpu.memory_space<vmem>>, vector<1x576xi32>
    tpu.vector_store %arg3[%swap3A_135, %swap3A_136], %slice3A_134 {strides = array<i32>} : memref<1x9216xi32, #tpu.memory_space<vmem>>, vector<1x576xi32>,
    %get3A_138 = arith.constant 128 : index
    %get3A_139 = arith.constant 0 : index
    %get3A_140 = vector.load %arg0[%get3A_138, %get3A_139] : memref<512x576xf32, #tpu.memory_space<vmem>>, vector<64x576xf32>
    %broadcast_in_dim3A_141 = arith.constant 1.000000e+00 : f32
    %broadcast_in_dim3A_142 = vector.broadcast %broadcast_in_dim3A_141 : f32 to vector<1x576xf32>
    %concatenate3A_143 = tpu.concatenate %get3A_140, %broadcast_in_dim3A_142 in 0 : vector<64x576xf32>, vector<1x576xf32> -> vector<65x576xf32>
    %convert_element_type3A_144 = arith.truncf %concatenate3A_143 : vector<65x576xf32> to vector<65x576xbf16>
    %convert_element_type3A_145 = arith.extf %convert_element_type3A_144 : vector<65x576xbf16> to vector<65x576xf32>
    %sub3A_146 = arith.subf %concatenate3A_143, %convert_element_type3A_145 : vector<65x576xf32>
    %convert_element_type3A_147 = arith.truncf %sub3A_146 : vector<65x576xf32> to vector<65x576xbf16>
    %dot_general3A_148 = arith.constant dense<0.000000e+00> : vector<576x512xf32>
    %dot_general3A_149 = tpu.matmul %convert_element_type3A_144, %convert_element_type3A, %dot_general3A_148 {dimension_numbers = #tpu.dot_dimension_numbers<[0], [0], [1], [1], [0, 1, 1, 1], [], []>, transpose_lhs_hint = false} : vector<65x576xbf16>, vector<65x512xbf16>, vector<576x512xf32> -> vector<576x512xf32>
    %dot_general3A_150 = arith.constant dense<0.000000e+00> : vector<576x512xf32>
    %dot_general3A_151 = tpu.matmul %convert_element_type3A_144, %convert_element_type3A_7, %dot_general3A_150 {dimension_numbers = #tpu.dot_dimension_numbers<[0], [0], [1], [1], [0, 1, 1, 1], [], []>, transpose_lhs_hint = false} : vector<65x576xbf16>, vector<65x512xbf16>, vector<576x512xf32> -> vector<576x512xf32>
    %dot_general3A_152 = arith.constant dense<0.000000e+00> : vector<576x512xf32>
    %dot_general3A_153 = tpu.matmul %convert_element_type3A_147, %convert_element_type3A, %dot_general3A_152 {dimension_numbers = #tpu.dot_dimension_numbers<[0], [0], [1], [1], [0, 1, 1, 1], [], []>, transpose_lhs_hint = false} : vector<65x576xbf16>, vector<65x512xbf16>, vector<576x512xf32> -> vector<576x512xf32>
    %add3A_154 = arith.addf %dot_general3A_151, %dot_general3A_153 : vector<576x512xf32>
    %add3A_155 = arith.addf %dot_general3A_149, %add3A_154 : vector<576x512xf32>
    %mul3A_156 = arith.mulf %get3A_140, %get3A_140 : vector<64x576xf32>
    %reduce_sum3A_157 = arith.constant dense<0.000000e+00> : vector<576xf32>
    %reduce_sum3A_158 = vector.multi_reduction <add>, %mul3A_156, %reduce_sum3A_157 [0] : vector<64x576xf32> to vector<576xf32>
    %broadcast_in_dim3A_159 = vector.shape_cast %reduce_sum3A_158 : vector<576xf32> to vector<1x576xf32>
    %transpose3A_160 = tpu.transpose %broadcast_in_dim3A_159, [1, 0] : vector<1x576xf32> -> vector<576x1xf32>
    %add3A_161 = vector.broadcast %transpose3A_160 : vector<576x1xf32> to vector<576x512xf32>
    %add3A_162 = arith.addf %add3A_161, %add3A_155 : vector<576x512xf32>
    %reduce_min3A_163 = arith.constant dense<0x7F800000> : vector<576xf32>
    %reduce_min3A_164 = vector.multi_reduction <minimumf>, %add3A_162, %reduce_min3A_163 [1] : vector<576x512xf32> to vector<576xf32>
    %broadcast_in_dim3A_165 = vector.shape_cast %reduce_min3A_164 : vector<576xf32> to vector<576x1xf32>
    %eq3A_166 = vector.broadcast %broadcast_in_dim3A_165 : vector<576x1xf32> to vector<576x512xf32>
    %eq3A_167 = arith.cmpf oeq, %add3A_162, %eq3A_166 : vector<576x512xf32>
    %jit3A_168 = arith.constant 5.120000e+02 : f32
    %broadcast_in_dim3A_169 = vector.broadcast %jit3A_168 : f32 to vector<576x512xf32>
    %select_n3A_170 = arith.select %eq3A_167, %convert_element_type3A_8, %broadcast_in_dim3A_169 : vector<576x512xi1>, vector<576x512xf32>
    %reduce_min3A_171 = arith.constant dense<0x7F800000> : vector<576xf32>
    %reduce_min3A_172 = vector.multi_reduction <minimumf>, %select_n3A_170, %reduce_min3A_171 [1] : vector<576x512xf32> to vector<576xf32>
    %broadcast_in_dim3A_173 = vector.shape_cast %reduce_min3A_172 : vector<576xf32> to vector<576x1xf32>
    %eq3A_174 = vector.broadcast %broadcast_in_dim3A_173 : vector<576x1xf32> to vector<576x512xf32>
    %eq3A_175 = arith.cmpf oeq, %convert_element_type3A_8, %eq3A_174 : vector<576x512xf32>
    %jit3A_176 = arith.constant 0x7F800000 : f32
    %broadcast_in_dim3A_177 = vector.broadcast %jit3A_176 : f32 to vector<576x512xf32>
    %select_n3A_178 = arith.select %eq3A_175, %broadcast_in_dim3A_177, %add3A_162 : vector<576x512xi1>, vector<576x512xf32>
    %reduce_min3A_179 = arith.constant dense<0x7F800000> : vector<576xf32>
    %reduce_min3A_180 = vector.multi_reduction <minimumf>, %select_n3A_178, %reduce_min3A_179 [1] : vector<576x512xf32> to vector<576xf32>
    %broadcast_in_dim3A_181 = vector.shape_cast %reduce_min3A_180 : vector<576xf32> to vector<576x1xf32>
    %eq3A_182 = vector.broadcast %broadcast_in_dim3A_181 : vector<576x1xf32> to vector<576x512xf32>
    %eq3A_183 = arith.cmpf oeq, %select_n3A_178, %eq3A_182 : vector<576x512xf32>
    %jit3A_184 = arith.constant 5.120000e+02 : f32
    %broadcast_in_dim3A_185 = vector.broadcast %jit3A_184 : f32 to vector<576x512xf32>
    %select_n3A_186 = arith.select %eq3A_183, %convert_element_type3A_8, %broadcast_in_dim3A_185 : vector<576x512xi1>, vector<576x512xf32>
    %reduce_min3A_187 = arith.constant dense<0x7F800000> : vector<576xf32>
    %reduce_min3A_188 = vector.multi_reduction <minimumf>, %select_n3A_186, %reduce_min3A_187 [1] : vector<576x512xf32> to vector<576xf32>
    %broadcast_in_dim3A_189 = vector.shape_cast %reduce_min3A_188 : vector<576xf32> to vector<576x1xf32>
    %concatenate3A_190 = tpu.concatenate %broadcast_in_dim3A_173, %broadcast_in_dim3A_189 in 1 : vector<576x1xf32>, vector<576x1xf32> -> vector<576x2xf32>
    %transpose3A_191 = tpu.transpose %concatenate3A_190, [1, 0] : vector<576x2xf32> -> vector<2x576xf32>
    %convert_element_type3A_192 = arith.fptosi %transpose3A_191 : vector<2x576xf32> to vector<2x576xi32>
    %swap3A_193 = arith.constant 0 : index
    %swap3A_194 = arith.constant 2 : index
    %swap3A_195 = arith.constant 0 : index
    %swap3A_196 = vector.load %arg2[%swap3A_193, %swap3A_194, %swap3A_195] : memref<2x8x576xi32, #tpu.memory_space<vmem>>, vector<2x1x576xi32>
    %swap3A_197 = vector.shape_cast %swap3A_196 : vector<2x1x576xi32> to vector<2x576xi32>
    %swap3A_198 = vector.shape_cast %convert_element_type3A_192 : vector<2x576xi32> to vector<2x1x576xi32>
    tpu.vector_store %arg2[%swap3A_193, %swap3A_194, %swap3A_195], %swap3A_198 {strides = array<i32>} : memref<2x8x576xi32, #tpu.memory_space<vmem>>, vector<2x1x576xi32>,
    %slice3A_199 = vector.extract_strided_slice %convert_element_type3A_192 {offsets = [0, 0], sizes = [1, 576], strides = [1, 1]} : vector<2x576xi32> to vector<1x576xi32>
    %swap3A_200 = arith.constant 0 : index
    %swap3A_201 = arith.constant 1152 : index
    %swap3A_202 = vector.load %arg3[%swap3A_200, %swap3A_201] : memref<1x9216xi32, #tpu.memory_space<vmem>>, vector<1x576xi32>
    tpu.vector_store %arg3[%swap3A_200, %swap3A_201], %slice3A_199 {strides = array<i32>} : memref<1x9216xi32, #tpu.memory_space<vmem>>, vector<1x576xi32>,
    %slice3A_203 = vector.extract_strided_slice %convert_element_type3A_192 {offsets = [1, 0], sizes = [1, 576], strides = [1, 1]} : vector<2x576xi32> to vector<1x576xi32>
    %swap3A_204 = arith.constant 0 : index
    %swap3A_205 = arith.constant 5760 : index
    %swap3A_206 = vector.load %arg3[%swap3A_204, %swap3A_205] : memref<1x9216xi32, #tpu.memory_space<vmem>>, vector<1x576xi32>
    tpu.vector_store %arg3[%swap3A_204, %swap3A_205], %slice3A_203 {strides = array<i32>} : memref<1x9216xi32, #tpu.memory_space<vmem>>, vector<1x576xi32>,
    %get3A_207 = arith.constant 192 : index
    %get3A_208 = arith.constant 0 : index
    %get3A_209 = vector.load %arg0[%get3A_207, %get3A_208] : memref<512x576xf32, #tpu.memory_space<vmem>>, vector<64x576xf32>
    %broadcast_in_dim3A_210 = arith.constant 1.000000e+00 : f32
    %broadcast_in_dim3A_211 = vector.broadcast %broadcast_in_dim3A_210 : f32 to vector<1x576xf32>
    %concatenate3A_212 = tpu.concatenate %get3A_209, %broadcast_in_dim3A_211 in 0 : vector<64x576xf32>, vector<1x576xf32> -> vector<65x576xf32>
    %convert_element_type3A_213 = arith.truncf %concatenate3A_212 : vector<65x576xf32> to vector<65x576xbf16>
    %convert_element_type3A_214 = arith.extf %convert_element_type3A_213 : vector<65x576xbf16> to vector<65x576xf32>
    %sub3A_215 = arith.subf %concatenate3A_212, %convert_element_type3A_214 : vector<65x576xf32>
    %convert_element_type3A_216 = arith.truncf %sub3A_215 : vector<65x576xf32> to vector<65x576xbf16>
    %dot_general3A_217 = arith.constant dense<0.000000e+00> : vector<576x512xf32>
    %dot_general3A_218 = tpu.matmul %convert_element_type3A_213, %convert_element_type3A, %dot_general3A_217 {dimension_numbers = #tpu.dot_dimension_numbers<[0], [0], [1], [1], [0, 1, 1, 1], [], []>, transpose_lhs_hint = false} : vector<65x576xbf16>, vector<65x512xbf16>, vector<576x512xf32> -> vector<576x512xf32>
    %dot_general3A_219 = arith.constant dense<0.000000e+00> : vector<576x512xf32>
    %dot_general3A_220 = tpu.matmul %convert_element_type3A_213, %convert_element_type3A_7, %dot_general3A_219 {dimension_numbers = #tpu.dot_dimension_numbers<[0], [0], [1], [1], [0, 1, 1, 1], [], []>, transpose_lhs_hint = false} : vector<65x576xbf16>, vector<65x512xbf16>, vector<576x512xf32> -> vector<576x512xf32>
    %dot_general3A_221 = arith.constant dense<0.000000e+00> : vector<576x512xf32>
    %dot_general3A_222 = tpu.matmul %convert_element_type3A_216, %convert_element_type3A, %dot_general3A_221 {dimension_numbers = #tpu.dot_dimension_numbers<[0], [0], [1], [1], [0, 1, 1, 1], [], []>, transpose_lhs_hint = false} : vector<65x576xbf16>, vector<65x512xbf16>, vector<576x512xf32> -> vector<576x512xf32>
    %add3A_223 = arith.addf %dot_general3A_220, %dot_general3A_222 : vector<576x512xf32>
    %add3A_224 = arith.addf %dot_general3A_218, %add3A_223 : vector<576x512xf32>
    %mul3A_225 = arith.mulf %get3A_209, %get3A_209 : vector<64x576xf32>
    %reduce_sum3A_226 = arith.constant dense<0.000000e+00> : vector<576xf32>
    %reduce_sum3A_227 = vector.multi_reduction <add>, %mul3A_225, %reduce_sum3A_226 [0] : vector<64x576xf32> to vector<576xf32>
    %broadcast_in_dim3A_228 = vector.shape_cast %reduce_sum3A_227 : vector<576xf32> to vector<1x576xf32>
    %transpose3A_229 = tpu.transpose %broadcast_in_dim3A_228, [1, 0] : vector<1x576xf32> -> vector<576x1xf32>
    %add3A_230 = vector.broadcast %transpose3A_229 : vector<576x1xf32> to vector<576x512xf32>
    %add3A_231 = arith.addf %add3A_230, %add3A_224 : vector<576x512xf32>
    %reduce_min3A_232 = arith.constant dense<0x7F800000> : vector<576xf32>
    %reduce_min3A_233 = vector.multi_reduction <minimumf>, %add3A_231, %reduce_min3A_232 [1] : vector<576x512xf32> to vector<576xf32>
    %broadcast_in_dim3A_234 = vector.shape_cast %reduce_min3A_233 : vector<576xf32> to vector<576x1xf32>
    %eq3A_235 = vector.broadcast %broadcast_in_dim3A_234 : vector<576x1xf32> to vector<576x512xf32>
    %eq3A_236 = arith.cmpf oeq, %add3A_231, %eq3A_235 : vector<576x512xf32>
    %jit3A_237 = arith.constant 5.120000e+02 : f32
    %broadcast_in_dim3A_238 = vector.broadcast %jit3A_237 : f32 to vector<576x512xf32>
    %select_n3A_239 = arith.select %eq3A_236, %convert_element_type3A_8, %broadcast_in_dim3A_238 : vector<576x512xi1>, vector<576x512xf32>
    %reduce_min3A_240 = arith.constant dense<0x7F800000> : vector<576xf32>
    %reduce_min3A_241 = vector.multi_reduction <minimumf>, %select_n3A_239, %reduce_min3A_240 [1] : vector<576x512xf32> to vector<576xf32>
    %broadcast_in_dim3A_242 = vector.shape_cast %reduce_min3A_241 : vector<576xf32> to vector<576x1xf32>
    %eq3A_243 = vector.broadcast %broadcast_in_dim3A_242 : vector<576x1xf32> to vector<576x512xf32>
    %eq3A_244 = arith.cmpf oeq, %convert_element_type3A_8, %eq3A_243 : vector<576x512xf32>
    %jit3A_245 = arith.constant 0x7F800000 : f32
    %broadcast_in_dim3A_246 = vector.broadcast %jit3A_245 : f32 to vector<576x512xf32>
    %select_n3A_247 = arith.select %eq3A_244, %broadcast_in_dim3A_246, %add3A_231 : vector<576x512xi1>, vector<576x512xf32>
    %reduce_min3A_248 = arith.constant dense<0x7F800000> : vector<576xf32>
    %reduce_min3A_249 = vector.multi_reduction <minimumf>, %select_n3A_247, %reduce_min3A_248 [1] : vector<576x512xf32> to vector<576xf32>
    %broadcast_in_dim3A_250 = vector.shape_cast %reduce_min3A_249 : vector<576xf32> to vector<576x1xf32>
    %eq3A_251 = vector.broadcast %broadcast_in_dim3A_250 : vector<576x1xf32> to vector<576x512xf32>
    %eq3A_252 = arith.cmpf oeq, %select_n3A_247, %eq3A_251 : vector<576x512xf32>
    %jit3A_253 = arith.constant 5.120000e+02 : f32
    %broadcast_in_dim3A_254 = vector.broadcast %jit3A_253 : f32 to vector<576x512xf32>
    %select_n3A_255 = arith.select %eq3A_252, %convert_element_type3A_8, %broadcast_in_dim3A_254 : vector<576x512xi1>, vector<576x512xf32>
    %reduce_min3A_256 = arith.constant dense<0x7F800000> : vector<576xf32>
    %reduce_min3A_257 = vector.multi_reduction <minimumf>, %select_n3A_255, %reduce_min3A_256 [1] : vector<576x512xf32> to vector<576xf32>
    %broadcast_in_dim3A_258 = vector.shape_cast %reduce_min3A_257 : vector<576xf32> to vector<576x1xf32>
    %concatenate3A_259 = tpu.concatenate %broadcast_in_dim3A_242, %broadcast_in_dim3A_258 in 1 : vector<576x1xf32>, vector<576x1xf32> -> vector<576x2xf32>
    %transpose3A_260 = tpu.transpose %concatenate3A_259, [1, 0] : vector<576x2xf32> -> vector<2x576xf32>
    %convert_element_type3A_261 = arith.fptosi %transpose3A_260 : vector<2x576xf32> to vector<2x576xi32>
    %swap3A_262 = arith.constant 0 : index
    %swap3A_263 = arith.constant 3 : index
    %swap3A_264 = arith.constant 0 : index
    %swap3A_265 = vector.load %arg2[%swap3A_262, %swap3A_263, %swap3A_264] : memref<2x8x576xi32, #tpu.memory_space<vmem>>, vector<2x1x576xi32>
    %swap3A_266 = vector.shape_cast %swap3A_265 : vector<2x1x576xi32> to vector<2x576xi32>
    %swap3A_267 = vector.shape_cast %convert_element_type3A_261 : vector<2x576xi32> to vector<2x1x576xi32>
    tpu.vector_store %arg2[%swap3A_262, %swap3A_263, %swap3A_264], %swap3A_267 {strides = array<i32>} : memref<2x8x576xi32, #tpu.memory_space<vmem>>, vector<2x1x576xi32>,
    %slice3A_268 = vector.extract_strided_slice %convert_element_type3A_261 {offsets = [0, 0], sizes = [1, 576], strides = [1, 1]} : vector<2x576xi32> to vector<1x576xi32>
    %swap3A_269 = arith.constant 0 : index
    %swap3A_270 = arith.constant 1728 : index
    %swap3A_271 = vector.load %arg3[%swap3A_269, %swap3A_270] : memref<1x9216xi32, #tpu.memory_space<vmem>>, vector<1x576xi32>
    tpu.vector_store %arg3[%swap3A_269, %swap3A_270], %slice3A_268 {strides = array<i32>} : memref<1x9216xi32, #tpu.memory_space<vmem>>, vector<1x576xi32>,
    %slice3A_272 = vector.extract_strided_slice %convert_element_type3A_261 {offsets = [1, 0], sizes = [1, 576], strides = [1, 1]} : vector<2x576xi32> to vector<1x576xi32>
    %swap3A_273 = arith.constant 0 : index
    %swap3A_274 = arith.constant 6336 : index
    %swap3A_275 = vector.load %arg3[%swap3A_273, %swap3A_274] : memref<1x9216xi32, #tpu.memory_space<vmem>>, vector<1x576xi32>
    tpu.vector_store %arg3[%swap3A_273, %swap3A_274], %slice3A_272 {strides = array<i32>} : memref<1x9216xi32, #tpu.memory_space<vmem>>, vector<1x576xi32>,
    %get3A_276 = arith.constant 256 : index
    %get3A_277 = arith.constant 0 : index
    %get3A_278 = vector.load %arg0[%get3A_276, %get3A_277] : memref<512x576xf32, #tpu.memory_space<vmem>>, vector<64x576xf32>
    %broadcast_in_dim3A_279 = arith.constant 1.000000e+00 : f32
    %broadcast_in_dim3A_280 = vector.broadcast %broadcast_in_dim3A_279 : f32 to vector<1x576xf32>
    %concatenate3A_281 = tpu.concatenate %get3A_278, %broadcast_in_dim3A_280 in 0 : vector<64x576xf32>, vector<1x576xf32> -> vector<65x576xf32>
    %convert_element_type3A_282 = arith.truncf %concatenate3A_281 : vector<65x576xf32> to vector<65x576xbf16>
    %convert_element_type3A_283 = arith.extf %convert_element_type3A_282 : vector<65x576xbf16> to vector<65x576xf32>
    %sub3A_284 = arith.subf %concatenate3A_281, %convert_element_type3A_283 : vector<65x576xf32>
    %convert_element_type3A_285 = arith.truncf %sub3A_284 : vector<65x576xf32> to vector<65x576xbf16>
    %dot_general3A_286 = arith.constant dense<0.000000e+00> : vector<576x512xf32>
    %dot_general3A_287 = tpu.matmul %convert_element_type3A_282, %convert_element_type3A, %dot_general3A_286 {dimension_numbers = #tpu.dot_dimension_numbers<[0], [0], [1], [1], [0, 1, 1, 1], [], []>, transpose_lhs_hint = false} : vector<65x576xbf16>, vector<65x512xbf16>, vector<576x512xf32> -> vector<576x512xf32>
    %dot_general3A_288 = arith.constant dense<0.000000e+00> : vector<576x512xf32>
    %dot_general3A_289 = tpu.matmul %convert_element_type3A_282, %convert_element_type3A_7, %dot_general3A_288 {dimension_numbers = #tpu.dot_dimension_numbers<[0], [0], [1], [1], [0, 1, 1, 1], [], []>, transpose_lhs_hint = false} : vector<65x576xbf16>, vector<65x512xbf16>, vector<576x512xf32> -> vector<576x512xf32>
    %dot_general3A_290 = arith.constant dense<0.000000e+00> : vector<576x512xf32>
    %dot_general3A_291 = tpu.matmul %convert_element_type3A_285, %convert_element_type3A, %dot_general3A_290 {dimension_numbers = #tpu.dot_dimension_numbers<[0], [0], [1], [1], [0, 1, 1, 1], [], []>, transpose_lhs_hint = false} : vector<65x576xbf16>, vector<65x512xbf16>, vector<576x512xf32> -> vector<576x512xf32>
    %add3A_292 = arith.addf %dot_general3A_289, %dot_general3A_291 : vector<576x512xf32>
    %add3A_293 = arith.addf %dot_general3A_287, %add3A_292 : vector<576x512xf32>
    %mul3A_294 = arith.mulf %get3A_278, %get3A_278 : vector<64x576xf32>
    %reduce_sum3A_295 = arith.constant dense<0.000000e+00> : vector<576xf32>
    %reduce_sum3A_296 = vector.multi_reduction <add>, %mul3A_294, %reduce_sum3A_295 [0] : vector<64x576xf32> to vector<576xf32>
    %broadcast_in_dim3A_297 = vector.shape_cast %reduce_sum3A_296 : vector<576xf32> to vector<1x576xf32>
    %transpose3A_298 = tpu.transpose %broadcast_in_dim3A_297, [1, 0] : vector<1x576xf32> -> vector<576x1xf32>
    %add3A_299 = vector.broadcast %transpose3A_298 : vector<576x1xf32> to vector<576x512xf32>
    %add3A_300 = arith.addf %add3A_299, %add3A_293 : vector<576x512xf32>
    %reduce_min3A_301 = arith.constant dense<0x7F800000> : vector<576xf32>
    %reduce_min3A_302 = vector.multi_reduction <minimumf>, %add3A_300, %reduce_min3A_301 [1] : vector<576x512xf32> to vector<576xf32>
    %broadcast_in_dim3A_303 = vector.shape_cast %reduce_min3A_302 : vector<576xf32> to vector<576x1xf32>
    %eq3A_304 = vector.broadcast %broadcast_in_dim3A_303 : vector<576x1xf32> to vector<576x512xf32>
    %eq3A_305 = arith.cmpf oeq, %add3A_300, %eq3A_304 : vector<576x512xf32>
    %jit3A_306 = arith.constant 5.120000e+02 : f32
    %broadcast_in_dim3A_307 = vector.broadcast %jit3A_306 : f32 to vector<576x512xf32>
    %select_n3A_308 = arith.select %eq3A_305, %convert_element_type3A_8, %broadcast_in_dim3A_307 : vector<576x512xi1>, vector<576x512xf32>
    %reduce_min3A_309 = arith.constant dense<0x7F800000> : vector<576xf32>
    %reduce_min3A_310 = vector.multi_reduction <minimumf>, %select_n3A_308, %reduce_min3A_309 [1] : vector<576x512xf32> to vector<576xf32>
    %broadcast_in_dim3A_311 = vector.shape_cast %reduce_min3A_310 : vector<576xf32> to vector<576x1xf32>
    %eq3A_312 = vector.broadcast %broadcast_in_dim3A_311 : vector<576x1xf32> to vector<576x512xf32>
    %eq3A_313 = arith.cmpf oeq, %convert_element_type3A_8, %eq3A_312 : vector<576x512xf32>
    %jit3A_314 = arith.constant 0x7F800000 : f32
    %broadcast_in_dim3A_315 = vector.broadcast %jit3A_314 : f32 to vector<576x512xf32>
    %select_n3A_316 = arith.select %eq3A_313, %broadcast_in_dim3A_315, %add3A_300 : vector<576x512xi1>, vector<576x512xf32>
    %reduce_min3A_317 = arith.constant dense<0x7F800000> : vector<576xf32>
    %reduce_min3A_318 = vector.multi_reduction <minimumf>, %select_n3A_316, %reduce_min3A_317 [1] : vector<576x512xf32> to vector<576xf32>
    %broadcast_in_dim3A_319 = vector.shape_cast %reduce_min3A_318 : vector<576xf32> to vector<576x1xf32>
    %eq3A_320 = vector.broadcast %broadcast_in_dim3A_319 : vector<576x1xf32> to vector<576x512xf32>
    %eq3A_321 = arith.cmpf oeq, %select_n3A_316, %eq3A_320 : vector<576x512xf32>
    %jit3A_322 = arith.constant 5.120000e+02 : f32
    %broadcast_in_dim3A_323 = vector.broadcast %jit3A_322 : f32 to vector<576x512xf32>
    %select_n3A_324 = arith.select %eq3A_321, %convert_element_type3A_8, %broadcast_in_dim3A_323 : vector<576x512xi1>, vector<576x512xf32>
    %reduce_min3A_325 = arith.constant dense<0x7F800000> : vector<576xf32>
    %reduce_min3A_326 = vector.multi_reduction <minimumf>, %select_n3A_324, %reduce_min3A_325 [1] : vector<576x512xf32> to vector<576xf32>
    %broadcast_in_dim3A_327 = vector.shape_cast %reduce_min3A_326 : vector<576xf32> to vector<576x1xf32>
    %concatenate3A_328 = tpu.concatenate %broadcast_in_dim3A_311, %broadcast_in_dim3A_327 in 1 : vector<576x1xf32>, vector<576x1xf32> -> vector<576x2xf32>
    %transpose3A_329 = tpu.transpose %concatenate3A_328, [1, 0] : vector<576x2xf32> -> vector<2x576xf32>
    %convert_element_type3A_330 = arith.fptosi %transpose3A_329 : vector<2x576xf32> to vector<2x576xi32>
    %swap3A_331 = arith.constant 0 : index
    %swap3A_332 = arith.constant 4 : index
    %swap3A_333 = arith.constant 0 : index
    %swap3A_334 = vector.load %arg2[%swap3A_331, %swap3A_332, %swap3A_333] : memref<2x8x576xi32, #tpu.memory_space<vmem>>, vector<2x1x576xi32>
    %swap3A_335 = vector.shape_cast %swap3A_334 : vector<2x1x576xi32> to vector<2x576xi32>
    %swap3A_336 = vector.shape_cast %convert_element_type3A_330 : vector<2x576xi32> to vector<2x1x576xi32>
    tpu.vector_store %arg2[%swap3A_331, %swap3A_332, %swap3A_333], %swap3A_336 {strides = array<i32>} : memref<2x8x576xi32, #tpu.memory_space<vmem>>, vector<2x1x576xi32>,
    %slice3A_337 = vector.extract_strided_slice %convert_element_type3A_330 {offsets = [0, 0], sizes = [1, 576], strides = [1, 1]} : vector<2x576xi32> to vector<1x576xi32>
    %swap3A_338 = arith.constant 0 : index
    %swap3A_339 = arith.constant 2304 : index
    %swap3A_340 = vector.load %arg3[%swap3A_338, %swap3A_339] : memref<1x9216xi32, #tpu.memory_space<vmem>>, vector<1x576xi32>
    tpu.vector_store %arg3[%swap3A_338, %swap3A_339], %slice3A_337 {strides = array<i32>} : memref<1x9216xi32, #tpu.memory_space<vmem>>, vector<1x576xi32>,
    %slice3A_341 = vector.extract_strided_slice %convert_element_type3A_330 {offsets = [1, 0], sizes = [1, 576], strides = [1, 1]} : vector<2x576xi32> to vector<1x576xi32>
    %swap3A_342 = arith.constant 0 : index
    %swap3A_343 = arith.constant 6912 : index
    %swap3A_344 = vector.load %arg3[%swap3A_342, %swap3A_343] : memref<1x9216xi32, #tpu.memory_space<vmem>>, vector<1x576xi32>
    tpu.vector_store %arg3[%swap3A_342, %swap3A_343], %slice3A_341 {strides = array<i32>} : memref<1x9216xi32, #tpu.memory_space<vmem>>, vector<1x576xi32>,
    %get3A_345 = arith.constant 320 : index
    %get3A_346 = arith.constant 0 : index
    %get3A_347 = vector.load %arg0[%get3A_345, %get3A_346] : memref<512x576xf32, #tpu.memory_space<vmem>>, vector<64x576xf32>
    %broadcast_in_dim3A_348 = arith.constant 1.000000e+00 : f32
    %broadcast_in_dim3A_349 = vector.broadcast %broadcast_in_dim3A_348 : f32 to vector<1x576xf32>
    %concatenate3A_350 = tpu.concatenate %get3A_347, %broadcast_in_dim3A_349 in 0 : vector<64x576xf32>, vector<1x576xf32> -> vector<65x576xf32>
    %convert_element_type3A_351 = arith.truncf %concatenate3A_350 : vector<65x576xf32> to vector<65x576xbf16>
    %convert_element_type3A_352 = arith.extf %convert_element_type3A_351 : vector<65x576xbf16> to vector<65x576xf32>
    %sub3A_353 = arith.subf %concatenate3A_350, %convert_element_type3A_352 : vector<65x576xf32>
    %convert_element_type3A_354 = arith.truncf %sub3A_353 : vector<65x576xf32> to vector<65x576xbf16>
    %dot_general3A_355 = arith.constant dense<0.000000e+00> : vector<576x512xf32>
    %dot_general3A_356 = tpu.matmul %convert_element_type3A_351, %convert_element_type3A, %dot_general3A_355 {dimension_numbers = #tpu.dot_dimension_numbers<[0], [0], [1], [1], [0, 1, 1, 1], [], []>, transpose_lhs_hint = false} : vector<65x576xbf16>, vector<65x512xbf16>, vector<576x512xf32> -> vector<576x512xf32>
    %dot_general3A_357 = arith.constant dense<0.000000e+00> : vector<576x512xf32>
    %dot_general3A_358 = tpu.matmul %convert_element_type3A_351, %convert_element_type3A_7, %dot_general3A_357 {dimension_numbers = #tpu.dot_dimension_numbers<[0], [0], [1], [1], [0, 1, 1, 1], [], []>, transpose_lhs_hint = false} : vector<65x576xbf16>, vector<65x512xbf16>, vector<576x512xf32> -> vector<576x512xf32>
    %dot_general3A_359 = arith.constant dense<0.000000e+00> : vector<576x512xf32>
    %dot_general3A_360 = tpu.matmul %convert_element_type3A_354, %convert_element_type3A, %dot_general3A_359 {dimension_numbers = #tpu.dot_dimension_numbers<[0], [0], [1], [1], [0, 1, 1, 1], [], []>, transpose_lhs_hint = false} : vector<65x576xbf16>, vector<65x512xbf16>, vector<576x512xf32> -> vector<576x512xf32>
    %add3A_361 = arith.addf %dot_general3A_358, %dot_general3A_360 : vector<576x512xf32>
    %add3A_362 = arith.addf %dot_general3A_356, %add3A_361 : vector<576x512xf32>
    %mul3A_363 = arith.mulf %get3A_347, %get3A_347 : vector<64x576xf32>
    %reduce_sum3A_364 = arith.constant dense<0.000000e+00> : vector<576xf32>
    %reduce_sum3A_365 = vector.multi_reduction <add>, %mul3A_363, %reduce_sum3A_364 [0] : vector<64x576xf32> to vector<576xf32>
    %broadcast_in_dim3A_366 = vector.shape_cast %reduce_sum3A_365 : vector<576xf32> to vector<1x576xf32>
    %transpose3A_367 = tpu.transpose %broadcast_in_dim3A_366, [1, 0] : vector<1x576xf32> -> vector<576x1xf32>
    %add3A_368 = vector.broadcast %transpose3A_367 : vector<576x1xf32> to vector<576x512xf32>
    %add3A_369 = arith.addf %add3A_368, %add3A_362 : vector<576x512xf32>
    %reduce_min3A_370 = arith.constant dense<0x7F800000> : vector<576xf32>
    %reduce_min3A_371 = vector.multi_reduction <minimumf>, %add3A_369, %reduce_min3A_370 [1] : vector<576x512xf32> to vector<576xf32>
    %broadcast_in_dim3A_372 = vector.shape_cast %reduce_min3A_371 : vector<576xf32> to vector<576x1xf32>
    %eq3A_373 = vector.broadcast %broadcast_in_dim3A_372 : vector<576x1xf32> to vector<576x512xf32>
    %eq3A_374 = arith.cmpf oeq, %add3A_369, %eq3A_373 : vector<576x512xf32>
    %jit3A_375 = arith.constant 5.120000e+02 : f32
    %broadcast_in_dim3A_376 = vector.broadcast %jit3A_375 : f32 to vector<576x512xf32>
    %select_n3A_377 = arith.select %eq3A_374, %convert_element_type3A_8, %broadcast_in_dim3A_376 : vector<576x512xi1>, vector<576x512xf32>
    %reduce_min3A_378 = arith.constant dense<0x7F800000> : vector<576xf32>
    %reduce_min3A_379 = vector.multi_reduction <minimumf>, %select_n3A_377, %reduce_min3A_378 [1] : vector<576x512xf32> to vector<576xf32>
    %broadcast_in_dim3A_380 = vector.shape_cast %reduce_min3A_379 : vector<576xf32> to vector<576x1xf32>
    %eq3A_381 = vector.broadcast %broadcast_in_dim3A_380 : vector<576x1xf32> to vector<576x512xf32>
    %eq3A_382 = arith.cmpf oeq, %convert_element_type3A_8, %eq3A_381 : vector<576x512xf32>
    %jit3A_383 = arith.constant 0x7F800000 : f32
    %broadcast_in_dim3A_384 = vector.broadcast %jit3A_383 : f32 to vector<576x512xf32>
    %select_n3A_385 = arith.select %eq3A_382, %broadcast_in_dim3A_384, %add3A_369 : vector<576x512xi1>, vector<576x512xf32>
    %reduce_min3A_386 = arith.constant dense<0x7F800000> : vector<576xf32>
    %reduce_min3A_387 = vector.multi_reduction <minimumf>, %select_n3A_385, %reduce_min3A_386 [1] : vector<576x512xf32> to vector<576xf32>
    %broadcast_in_dim3A_388 = vector.shape_cast %reduce_min3A_387 : vector<576xf32> to vector<576x1xf32>
    %eq3A_389 = vector.broadcast %broadcast_in_dim3A_388 : vector<576x1xf32> to vector<576x512xf32>
    %eq3A_390 = arith.cmpf oeq, %select_n3A_385, %eq3A_389 : vector<576x512xf32>
    %jit3A_391 = arith.constant 5.120000e+02 : f32
    %broadcast_in_dim3A_392 = vector.broadcast %jit3A_391 : f32 to vector<576x512xf32>
    %select_n3A_393 = arith.select %eq3A_390, %convert_element_type3A_8, %broadcast_in_dim3A_392 : vector<576x512xi1>, vector<576x512xf32>
    %reduce_min3A_394 = arith.constant dense<0x7F800000> : vector<576xf32>
    %reduce_min3A_395 = vector.multi_reduction <minimumf>, %select_n3A_393, %reduce_min3A_394 [1] : vector<576x512xf32> to vector<576xf32>
    %broadcast_in_dim3A_396 = vector.shape_cast %reduce_min3A_395 : vector<576xf32> to vector<576x1xf32>
    %concatenate3A_397 = tpu.concatenate %broadcast_in_dim3A_380, %broadcast_in_dim3A_396 in 1 : vector<576x1xf32>, vector<576x1xf32> -> vector<576x2xf32>
    %transpose3A_398 = tpu.transpose %concatenate3A_397, [1, 0] : vector<576x2xf32> -> vector<2x576xf32>
    %convert_element_type3A_399 = arith.fptosi %transpose3A_398 : vector<2x576xf32> to vector<2x576xi32>
    %swap3A_400 = arith.constant 0 : index
    %swap3A_401 = arith.constant 5 : index
    %swap3A_402 = arith.constant 0 : index
    %swap3A_403 = vector.load %arg2[%swap3A_400, %swap3A_401, %swap3A_402] : memref<2x8x576xi32, #tpu.memory_space<vmem>>, vector<2x1x576xi32>
    %swap3A_404 = vector.shape_cast %swap3A_403 : vector<2x1x576xi32> to vector<2x576xi32>
    %swap3A_405 = vector.shape_cast %convert_element_type3A_399 : vector<2x576xi32> to vector<2x1x576xi32>
    tpu.vector_store %arg2[%swap3A_400, %swap3A_401, %swap3A_402], %swap3A_405 {strides = array<i32>} : memref<2x8x576xi32, #tpu.memory_space<vmem>>, vector<2x1x576xi32>,
    %slice3A_406 = vector.extract_strided_slice %convert_element_type3A_399 {offsets = [0, 0], sizes = [1, 576], strides = [1, 1]} : vector<2x576xi32> to vector<1x576xi32>
    %swap3A_407 = arith.constant 0 : index
    %swap3A_408 = arith.constant 2880 : index
    %swap3A_409 = vector.load %arg3[%swap3A_407, %swap3A_408] : memref<1x9216xi32, #tpu.memory_space<vmem>>, vector<1x576xi32>
    tpu.vector_store %arg3[%swap3A_407, %swap3A_408], %slice3A_406 {strides = array<i32>} : memref<1x9216xi32, #tpu.memory_space<vmem>>, vector<1x576xi32>,
    %slice3A_410 = vector.extract_strided_slice %convert_element_type3A_399 {offsets = [1, 0], sizes = [1, 576], strides = [1, 1]} : vector<2x576xi32> to vector<1x576xi32>
    %swap3A_411 = arith.constant 0 : index
    %swap3A_412 = arith.constant 7488 : index
    %swap3A_413 = vector.load %arg3[%swap3A_411, %swap3A_412] : memref<1x9216xi32, #tpu.memory_space<vmem>>, vector<1x576xi32>
    tpu.vector_store %arg3[%swap3A_411, %swap3A_412], %slice3A_410 {strides = array<i32>} : memref<1x9216xi32, #tpu.memory_space<vmem>>, vector<1x576xi32>,
    %get3A_414 = arith.constant 384 : index
    %get3A_415 = arith.constant 0 : index
    %get3A_416 = vector.load %arg0[%get3A_414, %get3A_415] : memref<512x576xf32, #tpu.memory_space<vmem>>, vector<64x576xf32>
    %broadcast_in_dim3A_417 = arith.constant 1.000000e+00 : f32
    %broadcast_in_dim3A_418 = vector.broadcast %broadcast_in_dim3A_417 : f32 to vector<1x576xf32>
    %concatenate3A_419 = tpu.concatenate %get3A_416, %broadcast_in_dim3A_418 in 0 : vector<64x576xf32>, vector<1x576xf32> -> vector<65x576xf32>
    %convert_element_type3A_420 = arith.truncf %concatenate3A_419 : vector<65x576xf32> to vector<65x576xbf16>
    %convert_element_type3A_421 = arith.extf %convert_element_type3A_420 : vector<65x576xbf16> to vector<65x576xf32>
    %sub3A_422 = arith.subf %concatenate3A_419, %convert_element_type3A_421 : vector<65x576xf32>
    %convert_element_type3A_423 = arith.truncf %sub3A_422 : vector<65x576xf32> to vector<65x576xbf16>
    %dot_general3A_424 = arith.constant dense<0.000000e+00> : vector<576x512xf32>
    %dot_general3A_425 = tpu.matmul %convert_element_type3A_420, %convert_element_type3A, %dot_general3A_424 {dimension_numbers = #tpu.dot_dimension_numbers<[0], [0], [1], [1], [0, 1, 1, 1], [], []>, transpose_lhs_hint = false} : vector<65x576xbf16>, vector<65x512xbf16>, vector<576x512xf32> -> vector<576x512xf32>
    %dot_general3A_426 = arith.constant dense<0.000000e+00> : vector<576x512xf32>
    %dot_general3A_427 = tpu.matmul %convert_element_type3A_420, %convert_element_type3A_7, %dot_general3A_426 {dimension_numbers = #tpu.dot_dimension_numbers<[0], [0], [1], [1], [0, 1, 1, 1], [], []>, transpose_lhs_hint = false} : vector<65x576xbf16>, vector<65x512xbf16>, vector<576x512xf32> -> vector<576x512xf32>
    %dot_general3A_428 = arith.constant dense<0.000000e+00> : vector<576x512xf32>
    %dot_general3A_429 = tpu.matmul %convert_element_type3A_423, %convert_element_type3A, %dot_general3A_428 {dimension_numbers = #tpu.dot_dimension_numbers<[0], [0], [1], [1], [0, 1, 1, 1], [], []>, transpose_lhs_hint = false} : vector<65x576xbf16>, vector<65x512xbf16>, vector<576x512xf32> -> vector<576x512xf32>
    %add3A_430 = arith.addf %dot_general3A_427, %dot_general3A_429 : vector<576x512xf32>
    %add3A_431 = arith.addf %dot_general3A_425, %add3A_430 : vector<576x512xf32>
    %mul3A_432 = arith.mulf %get3A_416, %get3A_416 : vector<64x576xf32>
    %reduce_sum3A_433 = arith.constant dense<0.000000e+00> : vector<576xf32>
    %reduce_sum3A_434 = vector.multi_reduction <add>, %mul3A_432, %reduce_sum3A_433 [0] : vector<64x576xf32> to vector<576xf32>
    %broadcast_in_dim3A_435 = vector.shape_cast %reduce_sum3A_434 : vector<576xf32> to vector<1x576xf32>
    %transpose3A_436 = tpu.transpose %broadcast_in_dim3A_435, [1, 0] : vector<1x576xf32> -> vector<576x1xf32>
    %add3A_437 = vector.broadcast %transpose3A_436 : vector<576x1xf32> to vector<576x512xf32>
    %add3A_438 = arith.addf %add3A_437, %add3A_431 : vector<576x512xf32>
    %reduce_min3A_439 = arith.constant dense<0x7F800000> : vector<576xf32>
    %reduce_min3A_440 = vector.multi_reduction <minimumf>, %add3A_438, %reduce_min3A_439 [1] : vector<576x512xf32> to vector<576xf32>
    %broadcast_in_dim3A_441 = vector.shape_cast %reduce_min3A_440 : vector<576xf32> to vector<576x1xf32>
    %eq3A_442 = vector.broadcast %broadcast_in_dim3A_441 : vector<576x1xf32> to vector<576x512xf32>
    %eq3A_443 = arith.cmpf oeq, %add3A_438, %eq3A_442 : vector<576x512xf32>
    %jit3A_444 = arith.constant 5.120000e+02 : f32
    %broadcast_in_dim3A_445 = vector.broadcast %jit3A_444 : f32 to vector<576x512xf32>
    %select_n3A_446 = arith.select %eq3A_443, %convert_element_type3A_8, %broadcast_in_dim3A_445 : vector<576x512xi1>, vector<576x512xf32>
    %reduce_min3A_447 = arith.constant dense<0x7F800000> : vector<576xf32>
    %reduce_min3A_448 = vector.multi_reduction <minimumf>, %select_n3A_446, %reduce_min3A_447 [1] : vector<576x512xf32> to vector<576xf32>
    %broadcast_in_dim3A_449 = vector.shape_cast %reduce_min3A_448 : vector<576xf32> to vector<576x1xf32>
    %eq3A_450 = vector.broadcast %broadcast_in_dim3A_449 : vector<576x1xf32> to vector<576x512xf32>
    %eq3A_451 = arith.cmpf oeq, %convert_element_type3A_8, %eq3A_450 : vector<576x512xf32>
    %jit3A_452 = arith.constant 0x7F800000 : f32
    %broadcast_in_dim3A_453 = vector.broadcast %jit3A_452 : f32 to vector<576x512xf32>
    %select_n3A_454 = arith.select %eq3A_451, %broadcast_in_dim3A_453, %add3A_438 : vector<576x512xi1>, vector<576x512xf32>
    %reduce_min3A_455 = arith.constant dense<0x7F800000> : vector<576xf32>
    %reduce_min3A_456 = vector.multi_reduction <minimumf>, %select_n3A_454, %reduce_min3A_455 [1] : vector<576x512xf32> to vector<576xf32>
    %broadcast_in_dim3A_457 = vector.shape_cast %reduce_min3A_456 : vector<576xf32> to vector<576x1xf32>
    %eq3A_458 = vector.broadcast %broadcast_in_dim3A_457 : vector<576x1xf32> to vector<576x512xf32>
    %eq3A_459 = arith.cmpf oeq, %select_n3A_454, %eq3A_458 : vector<576x512xf32>
    %jit3A_460 = arith.constant 5.120000e+02 : f32
    %broadcast_in_dim3A_461 = vector.broadcast %jit3A_460 : f32 to vector<576x512xf32>
    %select_n3A_462 = arith.select %eq3A_459, %convert_element_type3A_8, %broadcast_in_dim3A_461 : vector<576x512xi1>, vector<576x512xf32>
    %reduce_min3A_463 = arith.constant dense<0x7F800000> : vector<576xf32>
    %reduce_min3A_464 = vector.multi_reduction <minimumf>, %select_n3A_462, %reduce_min3A_463 [1] : vector<576x512xf32> to vector<576xf32>
    %broadcast_in_dim3A_465 = vector.shape_cast %reduce_min3A_464 : vector<576xf32> to vector<576x1xf32>
    %concatenate3A_466 = tpu.concatenate %broadcast_in_dim3A_449, %broadcast_in_dim3A_465 in 1 : vector<576x1xf32>, vector<576x1xf32> -> vector<576x2xf32>
    %transpose3A_467 = tpu.transpose %concatenate3A_466, [1, 0] : vector<576x2xf32> -> vector<2x576xf32>
    %convert_element_type3A_468 = arith.fptosi %transpose3A_467 : vector<2x576xf32> to vector<2x576xi32>
    %swap3A_469 = arith.constant 0 : index
    %swap3A_470 = arith.constant 6 : index
    %swap3A_471 = arith.constant 0 : index
    %swap3A_472 = vector.load %arg2[%swap3A_469, %swap3A_470, %swap3A_471] : memref<2x8x576xi32, #tpu.memory_space<vmem>>, vector<2x1x576xi32>
    %swap3A_473 = vector.shape_cast %swap3A_472 : vector<2x1x576xi32> to vector<2x576xi32>
    %swap3A_474 = vector.shape_cast %convert_element_type3A_468 : vector<2x576xi32> to vector<2x1x576xi32>
    tpu.vector_store %arg2[%swap3A_469, %swap3A_470, %swap3A_471], %swap3A_474 {strides = array<i32>} : memref<2x8x576xi32, #tpu.memory_space<vmem>>, vector<2x1x576xi32>,
    %slice3A_475 = vector.extract_strided_slice %convert_element_type3A_468 {offsets = [0, 0], sizes = [1, 576], strides = [1, 1]} : vector<2x576xi32> to vector<1x576xi32>
    %swap3A_476 = arith.constant 0 : index
    %swap3A_477 = arith.constant 3456 : index
    %swap3A_478 = vector.load %arg3[%swap3A_476, %swap3A_477] : memref<1x9216xi32, #tpu.memory_space<vmem>>, vector<1x576xi32>
    tpu.vector_store %arg3[%swap3A_476, %swap3A_477], %slice3A_475 {strides = array<i32>} : memref<1x9216xi32, #tpu.memory_space<vmem>>, vector<1x576xi32>,
    %slice3A_479 = vector.extract_strided_slice %convert_element_type3A_468 {offsets = [1, 0], sizes = [1, 576], strides = [1, 1]} : vector<2x576xi32> to vector<1x576xi32>
    %swap3A_480 = arith.constant 0 : index
    %swap3A_481 = arith.constant 8064 : index
    %swap3A_482 = vector.load %arg3[%swap3A_480, %swap3A_481] : memref<1x9216xi32, #tpu.memory_space<vmem>>, vector<1x576xi32>
    tpu.vector_store %arg3[%swap3A_480, %swap3A_481], %slice3A_479 {strides = array<i32>} : memref<1x9216xi32, #tpu.memory_space<vmem>>, vector<1x576xi32>,
    %get3A_483 = arith.constant 448 : index
    %get3A_484 = arith.constant 0 : index
    %get3A_485 = vector.load %arg0[%get3A_483, %get3A_484] : memref<512x576xf32, #tpu.memory_space<vmem>>, vector<64x576xf32>
    %broadcast_in_dim3A_486 = arith.constant 1.000000e+00 : f32
    %broadcast_in_dim3A_487 = vector.broadcast %broadcast_in_dim3A_486 : f32 to vector<1x576xf32>
    %concatenate3A_488 = tpu.concatenate %get3A_485, %broadcast_in_dim3A_487 in 0 : vector<64x576xf32>, vector<1x576xf32> -> vector<65x576xf32>
    %convert_element_type3A_489 = arith.truncf %concatenate3A_488 : vector<65x576xf32> to vector<65x576xbf16>
    %convert_element_type3A_490 = arith.extf %convert_element_type3A_489 : vector<65x576xbf16> to vector<65x576xf32>
    %sub3A_491 = arith.subf %concatenate3A_488, %convert_element_type3A_490 : vector<65x576xf32>
    %convert_element_type3A_492 = arith.truncf %sub3A_491 : vector<65x576xf32> to vector<65x576xbf16>
    %dot_general3A_493 = arith.constant dense<0.000000e+00> : vector<576x512xf32>
    %dot_general3A_494 = tpu.matmul %convert_element_type3A_489, %convert_element_type3A, %dot_general3A_493 {dimension_numbers = #tpu.dot_dimension_numbers<[0], [0], [1], [1], [0, 1, 1, 1], [], []>, transpose_lhs_hint = false} : vector<65x576xbf16>, vector<65x512xbf16>, vector<576x512xf32> -> vector<576x512xf32>
    %dot_general3A_495 = arith.constant dense<0.000000e+00> : vector<576x512xf32>
    %dot_general3A_496 = tpu.matmul %convert_element_type3A_489, %convert_element_type3A_7, %dot_general3A_495 {dimension_numbers = #tpu.dot_dimension_numbers<[0], [0], [1], [1], [0, 1, 1, 1], [], []>, transpose_lhs_hint = false} : vector<65x576xbf16>, vector<65x512xbf16>, vector<576x512xf32> -> vector<576x512xf32>
    %dot_general3A_497 = arith.constant dense<0.000000e+00> : vector<576x512xf32>
    %dot_general3A_498 = tpu.matmul %convert_element_type3A_492, %convert_element_type3A, %dot_general3A_497 {dimension_numbers = #tpu.dot_dimension_numbers<[0], [0], [1], [1], [0, 1, 1, 1], [], []>, transpose_lhs_hint = false} : vector<65x576xbf16>, vector<65x512xbf16>, vector<576x512xf32> -> vector<576x512xf32>
    %add3A_499 = arith.addf %dot_general3A_496, %dot_general3A_498 : vector<576x512xf32>
    %add3A_500 = arith.addf %dot_general3A_494, %add3A_499 : vector<576x512xf32>
    %mul3A_501 = arith.mulf %get3A_485, %get3A_485 : vector<64x576xf32>
    %reduce_sum3A_502 = arith.constant dense<0.000000e+00> : vector<576xf32>
    %reduce_sum3A_503 = vector.multi_reduction <add>, %mul3A_501, %reduce_sum3A_502 [0] : vector<64x576xf32> to vector<576xf32>
    %broadcast_in_dim3A_504 = vector.shape_cast %reduce_sum3A_503 : vector<576xf32> to vector<1x576xf32>
    %transpose3A_505 = tpu.transpose %broadcast_in_dim3A_504, [1, 0] : vector<1x576xf32> -> vector<576x1xf32>
    %add3A_506 = vector.broadcast %transpose3A_505 : vector<576x1xf32> to vector<576x512xf32>
    %add3A_507 = arith.addf %add3A_506, %add3A_500 : vector<576x512xf32>
    %reduce_min3A_508 = arith.constant dense<0x7F800000> : vector<576xf32>
    %reduce_min3A_509 = vector.multi_reduction <minimumf>, %add3A_507, %reduce_min3A_508 [1] : vector<576x512xf32> to vector<576xf32>
    %broadcast_in_dim3A_510 = vector.shape_cast %reduce_min3A_509 : vector<576xf32> to vector<576x1xf32>
    %eq3A_511 = vector.broadcast %broadcast_in_dim3A_510 : vector<576x1xf32> to vector<576x512xf32>
    %eq3A_512 = arith.cmpf oeq, %add3A_507, %eq3A_511 : vector<576x512xf32>
    %jit3A_513 = arith.constant 5.120000e+02 : f32
    %broadcast_in_dim3A_514 = vector.broadcast %jit3A_513 : f32 to vector<576x512xf32>
    %select_n3A_515 = arith.select %eq3A_512, %convert_element_type3A_8, %broadcast_in_dim3A_514 : vector<576x512xi1>, vector<576x512xf32>
    %reduce_min3A_516 = arith.constant dense<0x7F800000> : vector<576xf32>
    %reduce_min3A_517 = vector.multi_reduction <minimumf>, %select_n3A_515, %reduce_min3A_516 [1] : vector<576x512xf32> to vector<576xf32>
    %broadcast_in_dim3A_518 = vector.shape_cast %reduce_min3A_517 : vector<576xf32> to vector<576x1xf32>
    %eq3A_519 = vector.broadcast %broadcast_in_dim3A_518 : vector<576x1xf32> to vector<576x512xf32>
    %eq3A_520 = arith.cmpf oeq, %convert_element_type3A_8, %eq3A_519 : vector<576x512xf32>
    %jit3A_521 = arith.constant 0x7F800000 : f32
    %broadcast_in_dim3A_522 = vector.broadcast %jit3A_521 : f32 to vector<576x512xf32>
    %select_n3A_523 = arith.select %eq3A_520, %broadcast_in_dim3A_522, %add3A_507 : vector<576x512xi1>, vector<576x512xf32>
    %reduce_min3A_524 = arith.constant dense<0x7F800000> : vector<576xf32>
    %reduce_min3A_525 = vector.multi_reduction <minimumf>, %select_n3A_523, %reduce_min3A_524 [1] : vector<576x512xf32> to vector<576xf32>
    %broadcast_in_dim3A_526 = vector.shape_cast %reduce_min3A_525 : vector<576xf32> to vector<576x1xf32>
    %eq3A_527 = vector.broadcast %broadcast_in_dim3A_526 : vector<576x1xf32> to vector<576x512xf32>
    %eq3A_528 = arith.cmpf oeq, %select_n3A_523, %eq3A_527 : vector<576x512xf32>
    %jit3A_529 = arith.constant 5.120000e+02 : f32
    %broadcast_in_dim3A_530 = vector.broadcast %jit3A_529 : f32 to vector<576x512xf32>
    %select_n3A_531 = arith.select %eq3A_528, %convert_element_type3A_8, %broadcast_in_dim3A_530 : vector<576x512xi1>, vector<576x512xf32>
    %reduce_min3A_532 = arith.constant dense<0x7F800000> : vector<576xf32>
    %reduce_min3A_533 = vector.multi_reduction <minimumf>, %select_n3A_531, %reduce_min3A_532 [1] : vector<576x512xf32> to vector<576xf32>
    %broadcast_in_dim3A_534 = vector.shape_cast %reduce_min3A_533 : vector<576xf32> to vector<576x1xf32>
    %concatenate3A_535 = tpu.concatenate %broadcast_in_dim3A_518, %broadcast_in_dim3A_534 in 1 : vector<576x1xf32>, vector<576x1xf32> -> vector<576x2xf32>
    %transpose3A_536 = tpu.transpose %concatenate3A_535, [1, 0] : vector<576x2xf32> -> vector<2x576xf32>
    %convert_element_type3A_537 = arith.fptosi %transpose3A_536 : vector<2x576xf32> to vector<2x576xi32>
    %swap3A_538 = arith.constant 0 : index
    %swap3A_539 = arith.constant 7 : index
    %swap3A_540 = arith.constant 0 : index
    %swap3A_541 = vector.load %arg2[%swap3A_538, %swap3A_539, %swap3A_540] : memref<2x8x576xi32, #tpu.memory_space<vmem>>, vector<2x1x576xi32>
    %swap3A_542 = vector.shape_cast %swap3A_541 : vector<2x1x576xi32> to vector<2x576xi32>
    %swap3A_543 = vector.shape_cast %convert_element_type3A_537 : vector<2x576xi32> to vector<2x1x576xi32>
    tpu.vector_store %arg2[%swap3A_538, %swap3A_539, %swap3A_540], %swap3A_543 {strides = array<i32>} : memref<2x8x576xi32, #tpu.memory_space<vmem>>, vector<2x1x576xi32>,
    %slice3A_544 = vector.extract_strided_slice %convert_element_type3A_537 {offsets = [0, 0], sizes = [1, 576], strides = [1, 1]} : vector<2x576xi32> to vector<1x576xi32>
    %swap3A_545 = arith.constant 0 : index
    %swap3A_546 = arith.constant 4032 : index
    %swap3A_547 = vector.load %arg3[%swap3A_545, %swap3A_546] : memref<1x9216xi32, #tpu.memory_space<vmem>>, vector<1x576xi32>
    tpu.vector_store %arg3[%swap3A_545, %swap3A_546], %slice3A_544 {strides = array<i32>} : memref<1x9216xi32, #tpu.memory_space<vmem>>, vector<1x576xi32>,
    %slice3A_548 = vector.extract_strided_slice %convert_element_type3A_537 {offsets = [1, 0], sizes = [1, 576], strides = [1, 1]} : vector<2x576xi32> to vector<1x576xi32>
    %swap3A_549 = arith.constant 0 : index
    %swap3A_550 = arith.constant 8640 : index
    %swap3A_551 = vector.load %arg3[%swap3A_549, %swap3A_550] : memref<1x9216xi32, #tpu.memory_space<vmem>>, vector<1x576xi32>
    tpu.vector_store %arg3[%swap3A_549, %swap3A_550], %slice3A_548 {strides = array<i32>} : memref<1x9216xi32, #tpu.memory_space<vmem>>, vector<1x576xi32>,
    %transpose3A_552 = tpu.transpose %get3A_1, [1, 0] : vector<64x512xf32> -> vector<512x64xf32>
    %concatenate3A_553 = tpu.concatenate %transpose3A_552, %transpose3A_552 in 1 : vector<512x64xf32>, vector<512x64xf32> -> vector<512x128xf32>
    %swap3A_554 = arith.constant 0 : index
    %swap3A_555 = arith.constant 0 : index
    %swap3A_556 = vector.load %arg4[%swap3A_554, %swap3A_555] : memref<512x128xf32, #tpu.memory_space<vmem>>, vector<512x128xf32>
    tpu.vector_store %arg4[%swap3A_554, %swap3A_555], %concatenate3A_553 {strides = array<i32>} : memref<512x128xf32, #tpu.memory_space<vmem>>, vector<512x128xf32>,
    return
  }
}

module attributes {stable_mosaic.version = 14 : i64} {
  func.func @_dist_body(%arg0: memref<512x576xf32, #tpu.memory_space<vmem>>, %arg1: memref<64x512xf32, #tpu.memory_space<vmem>>, %arg2: memref<8x576x512xf32, #tpu.memory_space<vmem>>, %arg3: memref<8x64x576xf32, #tpu.memory_space<vmem>>, %arg4: memref<64x512xf32, #tpu.memory_space<vmem>>) attributes {dimension_semantics = [], scalar_prefetch = 0 : i64, scratch_operands = 0 : i64, tpu.core_type = #tpu.core_type<tc>} {
    %get3A = arith.constant 0 : index
    %get3A_0 = arith.constant 0 : index
    %get3A_1 = vector.load %arg1[%get3A, %get3A_0] : memref<64x512xf32, #tpu.memory_space<vmem>>, vector<64x512xf32>
    %mul3A = arith.mulf %get3A_1, %get3A_1 : vector<64x512xf32>
    %reduce_sum3A = arith.constant dense<0.000000e+00> : vector<512xf32>
    %reduce_sum3A_2 = vector.multi_reduction <add>, %mul3A, %reduce_sum3A [0] : vector<64x512xf32> to vector<512xf32>
    %broadcast_in_dim3A = vector.shape_cast %reduce_sum3A_2 : vector<512xf32> to vector<1x512xf32>
    %mul3A_3 = arith.constant -2.000000e+00 : f32
    %mul3A_4 = vector.broadcast %mul3A_3 : f32 to vector<64x512xf32>
    %mul3A_5 = arith.mulf %mul3A_4, %get3A_1 : vector<64x512xf32>
    %concatenate3A = tpu.concatenate %mul3A_5, %broadcast_in_dim3A in 0 : vector<64x512xf32>, vector<1x512xf32> -> vector<65x512xf32>
    %convert_element_type3A = arith.truncf %concatenate3A : vector<65x512xf32> to vector<65x512xbf16>
    %get3A_6 = arith.constant 0 : index
    %get3A_7 = arith.constant 0 : index
    %get3A_8 = vector.load %arg0[%get3A_6, %get3A_7] : memref<512x576xf32, #tpu.memory_space<vmem>>, vector<64x576xf32>
    %broadcast_in_dim3A_9 = arith.constant 1.000000e+00 : f32
    %broadcast_in_dim3A_10 = vector.broadcast %broadcast_in_dim3A_9 : f32 to vector<1x576xf32>
    %concatenate3A_11 = tpu.concatenate %get3A_8, %broadcast_in_dim3A_10 in 0 : vector<64x576xf32>, vector<1x576xf32> -> vector<65x576xf32>
    %convert_element_type3A_12 = arith.truncf %concatenate3A_11 : vector<65x576xf32> to vector<65x576xbf16>
    %dot_general3A = arith.constant dense<0.000000e+00> : vector<576x512xf32>
    %dot_general3A_13 = tpu.matmul %convert_element_type3A_12, %convert_element_type3A, %dot_general3A {dimension_numbers = #tpu.dot_dimension_numbers<[0], [0], [1], [1], [0, 1, 1, 1], [], []>, transpose_lhs_hint = false} : vector<65x576xbf16>, vector<65x512xbf16>, vector<576x512xf32> -> vector<576x512xf32>
    %mul3A_14 = arith.mulf %get3A_8, %get3A_8 : vector<64x576xf32>
    %reduce_sum3A_15 = arith.constant dense<0.000000e+00> : vector<576xf32>
    %reduce_sum3A_16 = vector.multi_reduction <add>, %mul3A_14, %reduce_sum3A_15 [0] : vector<64x576xf32> to vector<576xf32>
    %broadcast_in_dim3A_17 = vector.shape_cast %reduce_sum3A_16 : vector<576xf32> to vector<1x576xf32>
    %transpose3A = tpu.transpose %broadcast_in_dim3A_17, [1, 0] : vector<1x576xf32> -> vector<576x1xf32>
    %add3A = vector.broadcast %transpose3A : vector<576x1xf32> to vector<576x512xf32>
    %add3A_18 = arith.addf %add3A, %dot_general3A_13 : vector<576x512xf32>
    %swap3A = arith.constant 0 : index
    %swap3A_19 = arith.constant 0 : index
    %swap3A_20 = arith.constant 0 : index
    %swap3A_21 = vector.load %arg2[%swap3A, %swap3A_19, %swap3A_20] : memref<8x576x512xf32, #tpu.memory_space<vmem>>, vector<1x576x512xf32>
    %swap3A_22 = vector.shape_cast %swap3A_21 : vector<1x576x512xf32> to vector<576x512xf32>
    %swap3A_23 = vector.shape_cast %add3A_18 : vector<576x512xf32> to vector<1x576x512xf32>
    tpu.vector_store %arg2[%swap3A, %swap3A_19, %swap3A_20], %swap3A_23 {strides = array<i32>} : memref<8x576x512xf32, #tpu.memory_space<vmem>>, vector<1x576x512xf32>,
    %swap3A_24 = arith.constant 0 : index
    %swap3A_25 = arith.constant 0 : index
    %swap3A_26 = arith.constant 0 : index
    %swap3A_27 = vector.load %arg3[%swap3A_24, %swap3A_25, %swap3A_26] : memref<8x64x576xf32, #tpu.memory_space<vmem>>, vector<1x64x576xf32>
    %swap3A_28 = vector.shape_cast %swap3A_27 : vector<1x64x576xf32> to vector<64x576xf32>
    %swap3A_29 = vector.shape_cast %get3A_8 : vector<64x576xf32> to vector<1x64x576xf32>
    tpu.vector_store %arg3[%swap3A_24, %swap3A_25, %swap3A_26], %swap3A_29 {strides = array<i32>} : memref<8x64x576xf32, #tpu.memory_space<vmem>>, vector<1x64x576xf32>,
    %get3A_30 = arith.constant 64 : index
    %get3A_31 = arith.constant 0 : index
    %get3A_32 = vector.load %arg0[%get3A_30, %get3A_31] : memref<512x576xf32, #tpu.memory_space<vmem>>, vector<64x576xf32>
    %broadcast_in_dim3A_33 = arith.constant 1.000000e+00 : f32
    %broadcast_in_dim3A_34 = vector.broadcast %broadcast_in_dim3A_33 : f32 to vector<1x576xf32>
    %concatenate3A_35 = tpu.concatenate %get3A_32, %broadcast_in_dim3A_34 in 0 : vector<64x576xf32>, vector<1x576xf32> -> vector<65x576xf32>
    %convert_element_type3A_36 = arith.truncf %concatenate3A_35 : vector<65x576xf32> to vector<65x576xbf16>
    %dot_general3A_37 = arith.constant dense<0.000000e+00> : vector<576x512xf32>
    %dot_general3A_38 = tpu.matmul %convert_element_type3A_36, %convert_element_type3A, %dot_general3A_37 {dimension_numbers = #tpu.dot_dimension_numbers<[0], [0], [1], [1], [0, 1, 1, 1], [], []>, transpose_lhs_hint = false} : vector<65x576xbf16>, vector<65x512xbf16>, vector<576x512xf32> -> vector<576x512xf32>
    %mul3A_39 = arith.mulf %get3A_32, %get3A_32 : vector<64x576xf32>
    %reduce_sum3A_40 = arith.constant dense<0.000000e+00> : vector<576xf32>
    %reduce_sum3A_41 = vector.multi_reduction <add>, %mul3A_39, %reduce_sum3A_40 [0] : vector<64x576xf32> to vector<576xf32>
    %broadcast_in_dim3A_42 = vector.shape_cast %reduce_sum3A_41 : vector<576xf32> to vector<1x576xf32>
    %transpose3A_43 = tpu.transpose %broadcast_in_dim3A_42, [1, 0] : vector<1x576xf32> -> vector<576x1xf32>
    %add3A_44 = vector.broadcast %transpose3A_43 : vector<576x1xf32> to vector<576x512xf32>
    %add3A_45 = arith.addf %add3A_44, %dot_general3A_38 : vector<576x512xf32>
    %swap3A_46 = arith.constant 1 : index
    %swap3A_47 = arith.constant 0 : index
    %swap3A_48 = arith.constant 0 : index
    %swap3A_49 = vector.load %arg2[%swap3A_46, %swap3A_47, %swap3A_48] : memref<8x576x512xf32, #tpu.memory_space<vmem>>, vector<1x576x512xf32>
    %swap3A_50 = vector.shape_cast %swap3A_49 : vector<1x576x512xf32> to vector<576x512xf32>
    %swap3A_51 = vector.shape_cast %add3A_45 : vector<576x512xf32> to vector<1x576x512xf32>
    tpu.vector_store %arg2[%swap3A_46, %swap3A_47, %swap3A_48], %swap3A_51 {strides = array<i32>} : memref<8x576x512xf32, #tpu.memory_space<vmem>>, vector<1x576x512xf32>,
    %swap3A_52 = arith.constant 1 : index
    %swap3A_53 = arith.constant 0 : index
    %swap3A_54 = arith.constant 0 : index
    %swap3A_55 = vector.load %arg3[%swap3A_52, %swap3A_53, %swap3A_54] : memref<8x64x576xf32, #tpu.memory_space<vmem>>, vector<1x64x576xf32>
    %swap3A_56 = vector.shape_cast %swap3A_55 : vector<1x64x576xf32> to vector<64x576xf32>
    %swap3A_57 = vector.shape_cast %get3A_32 : vector<64x576xf32> to vector<1x64x576xf32>
    tpu.vector_store %arg3[%swap3A_52, %swap3A_53, %swap3A_54], %swap3A_57 {strides = array<i32>} : memref<8x64x576xf32, #tpu.memory_space<vmem>>, vector<1x64x576xf32>,
    %get3A_58 = arith.constant 128 : index
    %get3A_59 = arith.constant 0 : index
    %get3A_60 = vector.load %arg0[%get3A_58, %get3A_59] : memref<512x576xf32, #tpu.memory_space<vmem>>, vector<64x576xf32>
    %broadcast_in_dim3A_61 = arith.constant 1.000000e+00 : f32
    %broadcast_in_dim3A_62 = vector.broadcast %broadcast_in_dim3A_61 : f32 to vector<1x576xf32>
    %concatenate3A_63 = tpu.concatenate %get3A_60, %broadcast_in_dim3A_62 in 0 : vector<64x576xf32>, vector<1x576xf32> -> vector<65x576xf32>
    %convert_element_type3A_64 = arith.truncf %concatenate3A_63 : vector<65x576xf32> to vector<65x576xbf16>
    %dot_general3A_65 = arith.constant dense<0.000000e+00> : vector<576x512xf32>
    %dot_general3A_66 = tpu.matmul %convert_element_type3A_64, %convert_element_type3A, %dot_general3A_65 {dimension_numbers = #tpu.dot_dimension_numbers<[0], [0], [1], [1], [0, 1, 1, 1], [], []>, transpose_lhs_hint = false} : vector<65x576xbf16>, vector<65x512xbf16>, vector<576x512xf32> -> vector<576x512xf32>
    %mul3A_67 = arith.mulf %get3A_60, %get3A_60 : vector<64x576xf32>
    %reduce_sum3A_68 = arith.constant dense<0.000000e+00> : vector<576xf32>
    %reduce_sum3A_69 = vector.multi_reduction <add>, %mul3A_67, %reduce_sum3A_68 [0] : vector<64x576xf32> to vector<576xf32>
    %broadcast_in_dim3A_70 = vector.shape_cast %reduce_sum3A_69 : vector<576xf32> to vector<1x576xf32>
    %transpose3A_71 = tpu.transpose %broadcast_in_dim3A_70, [1, 0] : vector<1x576xf32> -> vector<576x1xf32>
    %add3A_72 = vector.broadcast %transpose3A_71 : vector<576x1xf32> to vector<576x512xf32>
    %add3A_73 = arith.addf %add3A_72, %dot_general3A_66 : vector<576x512xf32>
    %swap3A_74 = arith.constant 2 : index
    %swap3A_75 = arith.constant 0 : index
    %swap3A_76 = arith.constant 0 : index
    %swap3A_77 = vector.load %arg2[%swap3A_74, %swap3A_75, %swap3A_76] : memref<8x576x512xf32, #tpu.memory_space<vmem>>, vector<1x576x512xf32>
    %swap3A_78 = vector.shape_cast %swap3A_77 : vector<1x576x512xf32> to vector<576x512xf32>
    %swap3A_79 = vector.shape_cast %add3A_73 : vector<576x512xf32> to vector<1x576x512xf32>
    tpu.vector_store %arg2[%swap3A_74, %swap3A_75, %swap3A_76], %swap3A_79 {strides = array<i32>} : memref<8x576x512xf32, #tpu.memory_space<vmem>>, vector<1x576x512xf32>,
    %swap3A_80 = arith.constant 2 : index
    %swap3A_81 = arith.constant 0 : index
    %swap3A_82 = arith.constant 0 : index
    %swap3A_83 = vector.load %arg3[%swap3A_80, %swap3A_81, %swap3A_82] : memref<8x64x576xf32, #tpu.memory_space<vmem>>, vector<1x64x576xf32>
    %swap3A_84 = vector.shape_cast %swap3A_83 : vector<1x64x576xf32> to vector<64x576xf32>
    %swap3A_85 = vector.shape_cast %get3A_60 : vector<64x576xf32> to vector<1x64x576xf32>
    tpu.vector_store %arg3[%swap3A_80, %swap3A_81, %swap3A_82], %swap3A_85 {strides = array<i32>} : memref<8x64x576xf32, #tpu.memory_space<vmem>>, vector<1x64x576xf32>,
    %get3A_86 = arith.constant 192 : index
    %get3A_87 = arith.constant 0 : index
    %get3A_88 = vector.load %arg0[%get3A_86, %get3A_87] : memref<512x576xf32, #tpu.memory_space<vmem>>, vector<64x576xf32>
    %broadcast_in_dim3A_89 = arith.constant 1.000000e+00 : f32
    %broadcast_in_dim3A_90 = vector.broadcast %broadcast_in_dim3A_89 : f32 to vector<1x576xf32>
    %concatenate3A_91 = tpu.concatenate %get3A_88, %broadcast_in_dim3A_90 in 0 : vector<64x576xf32>, vector<1x576xf32> -> vector<65x576xf32>
    %convert_element_type3A_92 = arith.truncf %concatenate3A_91 : vector<65x576xf32> to vector<65x576xbf16>
    %dot_general3A_93 = arith.constant dense<0.000000e+00> : vector<576x512xf32>
    %dot_general3A_94 = tpu.matmul %convert_element_type3A_92, %convert_element_type3A, %dot_general3A_93 {dimension_numbers = #tpu.dot_dimension_numbers<[0], [0], [1], [1], [0, 1, 1, 1], [], []>, transpose_lhs_hint = false} : vector<65x576xbf16>, vector<65x512xbf16>, vector<576x512xf32> -> vector<576x512xf32>
    %mul3A_95 = arith.mulf %get3A_88, %get3A_88 : vector<64x576xf32>
    %reduce_sum3A_96 = arith.constant dense<0.000000e+00> : vector<576xf32>
    %reduce_sum3A_97 = vector.multi_reduction <add>, %mul3A_95, %reduce_sum3A_96 [0] : vector<64x576xf32> to vector<576xf32>
    %broadcast_in_dim3A_98 = vector.shape_cast %reduce_sum3A_97 : vector<576xf32> to vector<1x576xf32>
    %transpose3A_99 = tpu.transpose %broadcast_in_dim3A_98, [1, 0] : vector<1x576xf32> -> vector<576x1xf32>
    %add3A_100 = vector.broadcast %transpose3A_99 : vector<576x1xf32> to vector<576x512xf32>
    %add3A_101 = arith.addf %add3A_100, %dot_general3A_94 : vector<576x512xf32>
    %swap3A_102 = arith.constant 3 : index
    %swap3A_103 = arith.constant 0 : index
    %swap3A_104 = arith.constant 0 : index
    %swap3A_105 = vector.load %arg2[%swap3A_102, %swap3A_103, %swap3A_104] : memref<8x576x512xf32, #tpu.memory_space<vmem>>, vector<1x576x512xf32>
    %swap3A_106 = vector.shape_cast %swap3A_105 : vector<1x576x512xf32> to vector<576x512xf32>
    %swap3A_107 = vector.shape_cast %add3A_101 : vector<576x512xf32> to vector<1x576x512xf32>
    tpu.vector_store %arg2[%swap3A_102, %swap3A_103, %swap3A_104], %swap3A_107 {strides = array<i32>} : memref<8x576x512xf32, #tpu.memory_space<vmem>>, vector<1x576x512xf32>,
    %swap3A_108 = arith.constant 3 : index
    %swap3A_109 = arith.constant 0 : index
    %swap3A_110 = arith.constant 0 : index
    %swap3A_111 = vector.load %arg3[%swap3A_108, %swap3A_109, %swap3A_110] : memref<8x64x576xf32, #tpu.memory_space<vmem>>, vector<1x64x576xf32>
    %swap3A_112 = vector.shape_cast %swap3A_111 : vector<1x64x576xf32> to vector<64x576xf32>
    %swap3A_113 = vector.shape_cast %get3A_88 : vector<64x576xf32> to vector<1x64x576xf32>
    tpu.vector_store %arg3[%swap3A_108, %swap3A_109, %swap3A_110], %swap3A_113 {strides = array<i32>} : memref<8x64x576xf32, #tpu.memory_space<vmem>>, vector<1x64x576xf32>,
    %get3A_114 = arith.constant 256 : index
    %get3A_115 = arith.constant 0 : index
    %get3A_116 = vector.load %arg0[%get3A_114, %get3A_115] : memref<512x576xf32, #tpu.memory_space<vmem>>, vector<64x576xf32>
    %broadcast_in_dim3A_117 = arith.constant 1.000000e+00 : f32
    %broadcast_in_dim3A_118 = vector.broadcast %broadcast_in_dim3A_117 : f32 to vector<1x576xf32>
    %concatenate3A_119 = tpu.concatenate %get3A_116, %broadcast_in_dim3A_118 in 0 : vector<64x576xf32>, vector<1x576xf32> -> vector<65x576xf32>
    %convert_element_type3A_120 = arith.truncf %concatenate3A_119 : vector<65x576xf32> to vector<65x576xbf16>
    %dot_general3A_121 = arith.constant dense<0.000000e+00> : vector<576x512xf32>
    %dot_general3A_122 = tpu.matmul %convert_element_type3A_120, %convert_element_type3A, %dot_general3A_121 {dimension_numbers = #tpu.dot_dimension_numbers<[0], [0], [1], [1], [0, 1, 1, 1], [], []>, transpose_lhs_hint = false} : vector<65x576xbf16>, vector<65x512xbf16>, vector<576x512xf32> -> vector<576x512xf32>
    %mul3A_123 = arith.mulf %get3A_116, %get3A_116 : vector<64x576xf32>
    %reduce_sum3A_124 = arith.constant dense<0.000000e+00> : vector<576xf32>
    %reduce_sum3A_125 = vector.multi_reduction <add>, %mul3A_123, %reduce_sum3A_124 [0] : vector<64x576xf32> to vector<576xf32>
    %broadcast_in_dim3A_126 = vector.shape_cast %reduce_sum3A_125 : vector<576xf32> to vector<1x576xf32>
    %transpose3A_127 = tpu.transpose %broadcast_in_dim3A_126, [1, 0] : vector<1x576xf32> -> vector<576x1xf32>
    %add3A_128 = vector.broadcast %transpose3A_127 : vector<576x1xf32> to vector<576x512xf32>
    %add3A_129 = arith.addf %add3A_128, %dot_general3A_122 : vector<576x512xf32>
    %swap3A_130 = arith.constant 4 : index
    %swap3A_131 = arith.constant 0 : index
    %swap3A_132 = arith.constant 0 : index
    %swap3A_133 = vector.load %arg2[%swap3A_130, %swap3A_131, %swap3A_132] : memref<8x576x512xf32, #tpu.memory_space<vmem>>, vector<1x576x512xf32>
    %swap3A_134 = vector.shape_cast %swap3A_133 : vector<1x576x512xf32> to vector<576x512xf32>
    %swap3A_135 = vector.shape_cast %add3A_129 : vector<576x512xf32> to vector<1x576x512xf32>
    tpu.vector_store %arg2[%swap3A_130, %swap3A_131, %swap3A_132], %swap3A_135 {strides = array<i32>} : memref<8x576x512xf32, #tpu.memory_space<vmem>>, vector<1x576x512xf32>,
    %swap3A_136 = arith.constant 4 : index
    %swap3A_137 = arith.constant 0 : index
    %swap3A_138 = arith.constant 0 : index
    %swap3A_139 = vector.load %arg3[%swap3A_136, %swap3A_137, %swap3A_138] : memref<8x64x576xf32, #tpu.memory_space<vmem>>, vector<1x64x576xf32>
    %swap3A_140 = vector.shape_cast %swap3A_139 : vector<1x64x576xf32> to vector<64x576xf32>
    %swap3A_141 = vector.shape_cast %get3A_116 : vector<64x576xf32> to vector<1x64x576xf32>
    tpu.vector_store %arg3[%swap3A_136, %swap3A_137, %swap3A_138], %swap3A_141 {strides = array<i32>} : memref<8x64x576xf32, #tpu.memory_space<vmem>>, vector<1x64x576xf32>,
    %get3A_142 = arith.constant 320 : index
    %get3A_143 = arith.constant 0 : index
    %get3A_144 = vector.load %arg0[%get3A_142, %get3A_143] : memref<512x576xf32, #tpu.memory_space<vmem>>, vector<64x576xf32>
    %broadcast_in_dim3A_145 = arith.constant 1.000000e+00 : f32
    %broadcast_in_dim3A_146 = vector.broadcast %broadcast_in_dim3A_145 : f32 to vector<1x576xf32>
    %concatenate3A_147 = tpu.concatenate %get3A_144, %broadcast_in_dim3A_146 in 0 : vector<64x576xf32>, vector<1x576xf32> -> vector<65x576xf32>
    %convert_element_type3A_148 = arith.truncf %concatenate3A_147 : vector<65x576xf32> to vector<65x576xbf16>
    %dot_general3A_149 = arith.constant dense<0.000000e+00> : vector<576x512xf32>
    %dot_general3A_150 = tpu.matmul %convert_element_type3A_148, %convert_element_type3A, %dot_general3A_149 {dimension_numbers = #tpu.dot_dimension_numbers<[0], [0], [1], [1], [0, 1, 1, 1], [], []>, transpose_lhs_hint = false} : vector<65x576xbf16>, vector<65x512xbf16>, vector<576x512xf32> -> vector<576x512xf32>
    %mul3A_151 = arith.mulf %get3A_144, %get3A_144 : vector<64x576xf32>
    %reduce_sum3A_152 = arith.constant dense<0.000000e+00> : vector<576xf32>
    %reduce_sum3A_153 = vector.multi_reduction <add>, %mul3A_151, %reduce_sum3A_152 [0] : vector<64x576xf32> to vector<576xf32>
    %broadcast_in_dim3A_154 = vector.shape_cast %reduce_sum3A_153 : vector<576xf32> to vector<1x576xf32>
    %transpose3A_155 = tpu.transpose %broadcast_in_dim3A_154, [1, 0] : vector<1x576xf32> -> vector<576x1xf32>
    %add3A_156 = vector.broadcast %transpose3A_155 : vector<576x1xf32> to vector<576x512xf32>
    %add3A_157 = arith.addf %add3A_156, %dot_general3A_150 : vector<576x512xf32>
    %swap3A_158 = arith.constant 5 : index
    %swap3A_159 = arith.constant 0 : index
    %swap3A_160 = arith.constant 0 : index
    %swap3A_161 = vector.load %arg2[%swap3A_158, %swap3A_159, %swap3A_160] : memref<8x576x512xf32, #tpu.memory_space<vmem>>, vector<1x576x512xf32>
    %swap3A_162 = vector.shape_cast %swap3A_161 : vector<1x576x512xf32> to vector<576x512xf32>
    %swap3A_163 = vector.shape_cast %add3A_157 : vector<576x512xf32> to vector<1x576x512xf32>
    tpu.vector_store %arg2[%swap3A_158, %swap3A_159, %swap3A_160], %swap3A_163 {strides = array<i32>} : memref<8x576x512xf32, #tpu.memory_space<vmem>>, vector<1x576x512xf32>,
    %swap3A_164 = arith.constant 5 : index
    %swap3A_165 = arith.constant 0 : index
    %swap3A_166 = arith.constant 0 : index
    %swap3A_167 = vector.load %arg3[%swap3A_164, %swap3A_165, %swap3A_166] : memref<8x64x576xf32, #tpu.memory_space<vmem>>, vector<1x64x576xf32>
    %swap3A_168 = vector.shape_cast %swap3A_167 : vector<1x64x576xf32> to vector<64x576xf32>
    %swap3A_169 = vector.shape_cast %get3A_144 : vector<64x576xf32> to vector<1x64x576xf32>
    tpu.vector_store %arg3[%swap3A_164, %swap3A_165, %swap3A_166], %swap3A_169 {strides = array<i32>} : memref<8x64x576xf32, #tpu.memory_space<vmem>>, vector<1x64x576xf32>,
    %get3A_170 = arith.constant 384 : index
    %get3A_171 = arith.constant 0 : index
    %get3A_172 = vector.load %arg0[%get3A_170, %get3A_171] : memref<512x576xf32, #tpu.memory_space<vmem>>, vector<64x576xf32>
    %broadcast_in_dim3A_173 = arith.constant 1.000000e+00 : f32
    %broadcast_in_dim3A_174 = vector.broadcast %broadcast_in_dim3A_173 : f32 to vector<1x576xf32>
    %concatenate3A_175 = tpu.concatenate %get3A_172, %broadcast_in_dim3A_174 in 0 : vector<64x576xf32>, vector<1x576xf32> -> vector<65x576xf32>
    %convert_element_type3A_176 = arith.truncf %concatenate3A_175 : vector<65x576xf32> to vector<65x576xbf16>
    %dot_general3A_177 = arith.constant dense<0.000000e+00> : vector<576x512xf32>
    %dot_general3A_178 = tpu.matmul %convert_element_type3A_176, %convert_element_type3A, %dot_general3A_177 {dimension_numbers = #tpu.dot_dimension_numbers<[0], [0], [1], [1], [0, 1, 1, 1], [], []>, transpose_lhs_hint = false} : vector<65x576xbf16>, vector<65x512xbf16>, vector<576x512xf32> -> vector<576x512xf32>
    %mul3A_179 = arith.mulf %get3A_172, %get3A_172 : vector<64x576xf32>
    %reduce_sum3A_180 = arith.constant dense<0.000000e+00> : vector<576xf32>
    %reduce_sum3A_181 = vector.multi_reduction <add>, %mul3A_179, %reduce_sum3A_180 [0] : vector<64x576xf32> to vector<576xf32>
    %broadcast_in_dim3A_182 = vector.shape_cast %reduce_sum3A_181 : vector<576xf32> to vector<1x576xf32>
    %transpose3A_183 = tpu.transpose %broadcast_in_dim3A_182, [1, 0] : vector<1x576xf32> -> vector<576x1xf32>
    %add3A_184 = vector.broadcast %transpose3A_183 : vector<576x1xf32> to vector<576x512xf32>
    %add3A_185 = arith.addf %add3A_184, %dot_general3A_178 : vector<576x512xf32>
    %swap3A_186 = arith.constant 6 : index
    %swap3A_187 = arith.constant 0 : index
    %swap3A_188 = arith.constant 0 : index
    %swap3A_189 = vector.load %arg2[%swap3A_186, %swap3A_187, %swap3A_188] : memref<8x576x512xf32, #tpu.memory_space<vmem>>, vector<1x576x512xf32>
    %swap3A_190 = vector.shape_cast %swap3A_189 : vector<1x576x512xf32> to vector<576x512xf32>
    %swap3A_191 = vector.shape_cast %add3A_185 : vector<576x512xf32> to vector<1x576x512xf32>
    tpu.vector_store %arg2[%swap3A_186, %swap3A_187, %swap3A_188], %swap3A_191 {strides = array<i32>} : memref<8x576x512xf32, #tpu.memory_space<vmem>>, vector<1x576x512xf32>,
    %swap3A_192 = arith.constant 6 : index
    %swap3A_193 = arith.constant 0 : index
    %swap3A_194 = arith.constant 0 : index
    %swap3A_195 = vector.load %arg3[%swap3A_192, %swap3A_193, %swap3A_194] : memref<8x64x576xf32, #tpu.memory_space<vmem>>, vector<1x64x576xf32>
    %swap3A_196 = vector.shape_cast %swap3A_195 : vector<1x64x576xf32> to vector<64x576xf32>
    %swap3A_197 = vector.shape_cast %get3A_172 : vector<64x576xf32> to vector<1x64x576xf32>
    tpu.vector_store %arg3[%swap3A_192, %swap3A_193, %swap3A_194], %swap3A_197 {strides = array<i32>} : memref<8x64x576xf32, #tpu.memory_space<vmem>>, vector<1x64x576xf32>,
    %get3A_198 = arith.constant 448 : index
    %get3A_199 = arith.constant 0 : index
    %get3A_200 = vector.load %arg0[%get3A_198, %get3A_199] : memref<512x576xf32, #tpu.memory_space<vmem>>, vector<64x576xf32>
    %broadcast_in_dim3A_201 = arith.constant 1.000000e+00 : f32
    %broadcast_in_dim3A_202 = vector.broadcast %broadcast_in_dim3A_201 : f32 to vector<1x576xf32>
    %concatenate3A_203 = tpu.concatenate %get3A_200, %broadcast_in_dim3A_202 in 0 : vector<64x576xf32>, vector<1x576xf32> -> vector<65x576xf32>
    %convert_element_type3A_204 = arith.truncf %concatenate3A_203 : vector<65x576xf32> to vector<65x576xbf16>
    %dot_general3A_205 = arith.constant dense<0.000000e+00> : vector<576x512xf32>
    %dot_general3A_206 = tpu.matmul %convert_element_type3A_204, %convert_element_type3A, %dot_general3A_205 {dimension_numbers = #tpu.dot_dimension_numbers<[0], [0], [1], [1], [0, 1, 1, 1], [], []>, transpose_lhs_hint = false} : vector<65x576xbf16>, vector<65x512xbf16>, vector<576x512xf32> -> vector<576x512xf32>
    %mul3A_207 = arith.mulf %get3A_200, %get3A_200 : vector<64x576xf32>
    %reduce_sum3A_208 = arith.constant dense<0.000000e+00> : vector<576xf32>
    %reduce_sum3A_209 = vector.multi_reduction <add>, %mul3A_207, %reduce_sum3A_208 [0] : vector<64x576xf32> to vector<576xf32>
    %broadcast_in_dim3A_210 = vector.shape_cast %reduce_sum3A_209 : vector<576xf32> to vector<1x576xf32>
    %transpose3A_211 = tpu.transpose %broadcast_in_dim3A_210, [1, 0] : vector<1x576xf32> -> vector<576x1xf32>
    %add3A_212 = vector.broadcast %transpose3A_211 : vector<576x1xf32> to vector<576x512xf32>
    %add3A_213 = arith.addf %add3A_212, %dot_general3A_206 : vector<576x512xf32>
    %swap3A_214 = arith.constant 7 : index
    %swap3A_215 = arith.constant 0 : index
    %swap3A_216 = arith.constant 0 : index
    %swap3A_217 = vector.load %arg2[%swap3A_214, %swap3A_215, %swap3A_216] : memref<8x576x512xf32, #tpu.memory_space<vmem>>, vector<1x576x512xf32>
    %swap3A_218 = vector.shape_cast %swap3A_217 : vector<1x576x512xf32> to vector<576x512xf32>
    %swap3A_219 = vector.shape_cast %add3A_213 : vector<576x512xf32> to vector<1x576x512xf32>
    tpu.vector_store %arg2[%swap3A_214, %swap3A_215, %swap3A_216], %swap3A_219 {strides = array<i32>} : memref<8x576x512xf32, #tpu.memory_space<vmem>>, vector<1x576x512xf32>,
    %swap3A_220 = arith.constant 7 : index
    %swap3A_221 = arith.constant 0 : index
    %swap3A_222 = arith.constant 0 : index
    %swap3A_223 = vector.load %arg3[%swap3A_220, %swap3A_221, %swap3A_222] : memref<8x64x576xf32, #tpu.memory_space<vmem>>, vector<1x64x576xf32>
    %swap3A_224 = vector.shape_cast %swap3A_223 : vector<1x64x576xf32> to vector<64x576xf32>
    %swap3A_225 = vector.shape_cast %get3A_200 : vector<64x576xf32> to vector<1x64x576xf32>
    tpu.vector_store %arg3[%swap3A_220, %swap3A_221, %swap3A_222], %swap3A_225 {strides = array<i32>} : memref<8x64x576xf32, #tpu.memory_space<vmem>>, vector<1x64x576xf32>,
    %swap3A_226 = arith.constant 0 : index
    %swap3A_227 = arith.constant 0 : index
    %swap3A_228 = vector.load %arg4[%swap3A_226, %swap3A_227] : memref<64x512xf32, #tpu.memory_space<vmem>>, vector<64x512xf32>
    tpu.vector_store %arg4[%swap3A_226, %swap3A_227], %get3A_1 {strides = array<i32>} : memref<64x512xf32, #tpu.memory_space<vmem>>, vector<64x512xf32>,
    return
  }
}

module attributes {stable_mosaic.version = 14 : i64} {
  func.func @_refine_body(%arg0: memref<512x576xf32, #tpu.memory_space<vmem>>, %arg1: memref<9216x128xf32, #tpu.memory_space<vmem>>, %arg2: memref<2x8x576xi32, #tpu.memory_space<vmem>>, %arg3: memref<8x576xi32, #tpu.memory_space<vmem>>, %arg4: memref<8x64x576xf32, #tpu.memory_space<vmem>>, %arg5: memref<8x64x576xf32, #tpu.memory_space<vmem>>, %arg6: memref<1x1xf32, #tpu.memory_space<vmem>>) attributes {dimension_semantics = [], scalar_prefetch = 0 : i64, scratch_operands = 0 : i64, tpu.core_type = #tpu.core_type<tc>} {
    %iota3A = tpu.iota {dimensions = array<i32: 0>} : vector<512x576xi32>
    %broadcast_in_dim3A = arith.constant 0.000000e+00 : f32
    %broadcast_in_dim3A_0 = vector.broadcast %broadcast_in_dim3A : f32 to vector<512x1xf32>
    %get3A = arith.constant 0 : index
    %get3A_1 = arith.constant 0 : index
    %get3A_2 = vector.load %arg0[%get3A, %get3A_1] : memref<512x576xf32, #tpu.memory_space<vmem>>, vector<64x576xf32>
    %get3A_3 = arith.constant 0 : index
    %get3A_4 = arith.constant 0 : index
    %get3A_5 = vector.load %arg1[%get3A_3, %get3A_4] : memref<9216x128xf32, #tpu.memory_space<vmem>>, vector<576x64xf32>
    %transpose3A = tpu.transpose %get3A_5, [1, 0] : vector<576x64xf32> -> vector<64x576xf32>
    %get3A_6 = arith.constant 4608 : index
    %get3A_7 = arith.constant 0 : index
    %get3A_8 = vector.load %arg1[%get3A_6, %get3A_7] : memref<9216x128xf32, #tpu.memory_space<vmem>>, vector<576x64xf32>
    %transpose3A_9 = tpu.transpose %get3A_8, [1, 0] : vector<576x64xf32> -> vector<64x576xf32>
    %sub3A = arith.subf %get3A_2, %transpose3A : vector<64x576xf32>
    %mul3A = arith.mulf %sub3A, %sub3A : vector<64x576xf32>
    %reshape3A = vector.shape_cast %mul3A : vector<64x576xf32> to vector<8x8x576xf32>
    %slice3A = vector.extract_strided_slice %reshape3A {offsets = [0, 0, 0], sizes = [8, 4, 576], strides = [1, 1, 1]} : vector<8x8x576xf32> to vector<8x4x576xf32>
    %slice3A_10 = vector.extract_strided_slice %reshape3A {offsets = [0, 4, 0], sizes = [8, 4, 576], strides = [1, 1, 1]} : vector<8x8x576xf32> to vector<8x4x576xf32>
    %add3A = arith.addf %slice3A, %slice3A_10 : vector<8x4x576xf32>
    %slice3A_11 = vector.extract_strided_slice %add3A {offsets = [0, 0, 0], sizes = [8, 2, 576], strides = [1, 1, 1]} : vector<8x4x576xf32> to vector<8x2x576xf32>
    %slice3A_12 = vector.extract_strided_slice %add3A {offsets = [0, 2, 0], sizes = [8, 2, 576], strides = [1, 1, 1]} : vector<8x4x576xf32> to vector<8x2x576xf32>
    %add3A_13 = arith.addf %slice3A_11, %slice3A_12 : vector<8x2x576xf32>
    %slice3A_14 = vector.extract_strided_slice %add3A_13 {offsets = [0, 0, 0], sizes = [8, 1, 576], strides = [1, 1, 1]} : vector<8x2x576xf32> to vector<8x1x576xf32>
    %slice3A_15 = vector.extract_strided_slice %add3A_13 {offsets = [0, 1, 0], sizes = [8, 1, 576], strides = [1, 1, 1]} : vector<8x2x576xf32> to vector<8x1x576xf32>
    %add3A_16 = arith.addf %slice3A_14, %slice3A_15 : vector<8x1x576xf32>
    %reshape3A_17 = vector.shape_cast %add3A_16 : vector<8x1x576xf32> to vector<8x576xf32>
    %slice3A_18 = vector.extract_strided_slice %reshape3A_17 {offsets = [0, 0], sizes = [1, 576], strides = [1, 1]} : vector<8x576xf32> to vector<1x576xf32>
    %slice3A_19 = vector.extract_strided_slice %reshape3A_17 {offsets = [1, 0], sizes = [1, 576], strides = [1, 1]} : vector<8x576xf32> to vector<1x576xf32>
    %add3A_20 = arith.addf %slice3A_18, %slice3A_19 : vector<1x576xf32>
    %slice3A_21 = vector.extract_strided_slice %reshape3A_17 {offsets = [2, 0], sizes = [1, 576], strides = [1, 1]} : vector<8x576xf32> to vector<1x576xf32>
    %add3A_22 = arith.addf %add3A_20, %slice3A_21 : vector<1x576xf32>
    %slice3A_23 = vector.extract_strided_slice %reshape3A_17 {offsets = [3, 0], sizes = [1, 576], strides = [1, 1]} : vector<8x576xf32> to vector<1x576xf32>
    %add3A_24 = arith.addf %add3A_22, %slice3A_23 : vector<1x576xf32>
    %slice3A_25 = vector.extract_strided_slice %reshape3A_17 {offsets = [4, 0], sizes = [1, 576], strides = [1, 1]} : vector<8x576xf32> to vector<1x576xf32>
    %add3A_26 = arith.addf %add3A_24, %slice3A_25 : vector<1x576xf32>
    %slice3A_27 = vector.extract_strided_slice %reshape3A_17 {offsets = [5, 0], sizes = [1, 576], strides = [1, 1]} : vector<8x576xf32> to vector<1x576xf32>
    %add3A_28 = arith.addf %add3A_26, %slice3A_27 : vector<1x576xf32>
    %slice3A_29 = vector.extract_strided_slice %reshape3A_17 {offsets = [6, 0], sizes = [1, 576], strides = [1, 1]} : vector<8x576xf32> to vector<1x576xf32>
    %add3A_30 = arith.addf %add3A_28, %slice3A_29 : vector<1x576xf32>
    %slice3A_31 = vector.extract_strided_slice %reshape3A_17 {offsets = [7, 0], sizes = [1, 576], strides = [1, 1]} : vector<8x576xf32> to vector<1x576xf32>
    %add3A_32 = arith.addf %add3A_30, %slice3A_31 : vector<1x576xf32>
    %sub3A_33 = arith.subf %get3A_2, %transpose3A_9 : vector<64x576xf32>
    %mul3A_34 = arith.mulf %sub3A_33, %sub3A_33 : vector<64x576xf32>
    %reshape3A_35 = vector.shape_cast %mul3A_34 : vector<64x576xf32> to vector<8x8x576xf32>
    %slice3A_36 = vector.extract_strided_slice %reshape3A_35 {offsets = [0, 0, 0], sizes = [8, 4, 576], strides = [1, 1, 1]} : vector<8x8x576xf32> to vector<8x4x576xf32>
    %slice3A_37 = vector.extract_strided_slice %reshape3A_35 {offsets = [0, 4, 0], sizes = [8, 4, 576], strides = [1, 1, 1]} : vector<8x8x576xf32> to vector<8x4x576xf32>
    %add3A_38 = arith.addf %slice3A_36, %slice3A_37 : vector<8x4x576xf32>
    %slice3A_39 = vector.extract_strided_slice %add3A_38 {offsets = [0, 0, 0], sizes = [8, 2, 576], strides = [1, 1, 1]} : vector<8x4x576xf32> to vector<8x2x576xf32>
    %slice3A_40 = vector.extract_strided_slice %add3A_38 {offsets = [0, 2, 0], sizes = [8, 2, 576], strides = [1, 1, 1]} : vector<8x4x576xf32> to vector<8x2x576xf32>
    %add3A_41 = arith.addf %slice3A_39, %slice3A_40 : vector<8x2x576xf32>
    %slice3A_42 = vector.extract_strided_slice %add3A_41 {offsets = [0, 0, 0], sizes = [8, 1, 576], strides = [1, 1, 1]} : vector<8x2x576xf32> to vector<8x1x576xf32>
    %slice3A_43 = vector.extract_strided_slice %add3A_41 {offsets = [0, 1, 0], sizes = [8, 1, 576], strides = [1, 1, 1]} : vector<8x2x576xf32> to vector<8x1x576xf32>
    %add3A_44 = arith.addf %slice3A_42, %slice3A_43 : vector<8x1x576xf32>
    %reshape3A_45 = vector.shape_cast %add3A_44 : vector<8x1x576xf32> to vector<8x576xf32>
    %slice3A_46 = vector.extract_strided_slice %reshape3A_45 {offsets = [0, 0], sizes = [1, 576], strides = [1, 1]} : vector<8x576xf32> to vector<1x576xf32>
    %slice3A_47 = vector.extract_strided_slice %reshape3A_45 {offsets = [1, 0], sizes = [1, 576], strides = [1, 1]} : vector<8x576xf32> to vector<1x576xf32>
    %add3A_48 = arith.addf %slice3A_46, %slice3A_47 : vector<1x576xf32>
    %slice3A_49 = vector.extract_strided_slice %reshape3A_45 {offsets = [2, 0], sizes = [1, 576], strides = [1, 1]} : vector<8x576xf32> to vector<1x576xf32>
    %add3A_50 = arith.addf %add3A_48, %slice3A_49 : vector<1x576xf32>
    %slice3A_51 = vector.extract_strided_slice %reshape3A_45 {offsets = [3, 0], sizes = [1, 576], strides = [1, 1]} : vector<8x576xf32> to vector<1x576xf32>
    %add3A_52 = arith.addf %add3A_50, %slice3A_51 : vector<1x576xf32>
    %slice3A_53 = vector.extract_strided_slice %reshape3A_45 {offsets = [4, 0], sizes = [1, 576], strides = [1, 1]} : vector<8x576xf32> to vector<1x576xf32>
    %add3A_54 = arith.addf %add3A_52, %slice3A_53 : vector<1x576xf32>
    %slice3A_55 = vector.extract_strided_slice %reshape3A_45 {offsets = [5, 0], sizes = [1, 576], strides = [1, 1]} : vector<8x576xf32> to vector<1x576xf32>
    %add3A_56 = arith.addf %add3A_54, %slice3A_55 : vector<1x576xf32>
    %slice3A_57 = vector.extract_strided_slice %reshape3A_45 {offsets = [6, 0], sizes = [1, 576], strides = [1, 1]} : vector<8x576xf32> to vector<1x576xf32>
    %add3A_58 = arith.addf %add3A_56, %slice3A_57 : vector<1x576xf32>
    %slice3A_59 = vector.extract_strided_slice %reshape3A_45 {offsets = [7, 0], sizes = [1, 576], strides = [1, 1]} : vector<8x576xf32> to vector<1x576xf32>
    %add3A_60 = arith.addf %add3A_58, %slice3A_59 : vector<1x576xf32>
    %get3A_61 = arith.constant 0 : index
    %get3A_62 = arith.constant 0 : index
    %get3A_63 = arith.constant 0 : index
    %get3A_64 = vector.load %arg2[%get3A_61, %get3A_62, %get3A_63] : memref<2x8x576xi32, #tpu.memory_space<vmem>>, vector<1x1x576xi32>
    %get3A_65 = vector.shape_cast %get3A_64 : vector<1x1x576xi32> to vector<1x576xi32>
    %get3A_66 = arith.constant 1 : index
    %get3A_67 = arith.constant 0 : index
    %get3A_68 = arith.constant 0 : index
    %get3A_69 = vector.load %arg2[%get3A_66, %get3A_67, %get3A_68] : memref<2x8x576xi32, #tpu.memory_space<vmem>>, vector<1x1x576xi32>
    %get3A_70 = vector.shape_cast %get3A_69 : vector<1x1x576xi32> to vector<1x576xi32>
    %lt3A = arith.cmpf olt, %add3A_60, %add3A_32 : vector<1x576xf32>
    %eq3A = arith.cmpf oeq, %add3A_60, %add3A_32 : vector<1x576xf32>
    %lt3A_71 = arith.cmpi slt, %get3A_70, %get3A_65 : vector<1x576xi32>
    %and3A = arith.andi %eq3A, %lt3A_71 : vector<1x576xi1>
    %or3A = arith.ori %lt3A, %and3A : vector<1x576xi1>
    %select_n3A = arith.select %or3A, %get3A_70, %get3A_65 : vector<1x576xi1>, vector<1x576xi32>
    %swap3A = arith.constant 0 : index
    %swap3A_72 = arith.constant 0 : index
    %swap3A_73 = vector.load %arg3[%swap3A, %swap3A_72] : memref<8x576xi32, #tpu.memory_space<vmem>>, vector<1x576xi32>
    tpu.vector_store %arg3[%swap3A, %swap3A_72], %select_n3A {strides = array<i32>} : memref<8x576xi32, #tpu.memory_space<vmem>>, vector<1x576xi32>,
    %broadcast_in_dim3A_74 = vector.shape_cast %or3A : vector<1x576xi1> to vector<1x576xi1>
    %broadcast_in_dim3A_75 = vector.broadcast %broadcast_in_dim3A_74 : vector<1x576xi1> to vector<64x576xi1>
    %select_n3A_76 = arith.select %broadcast_in_dim3A_75, %transpose3A_9, %transpose3A : vector<64x576xi1>, vector<64x576xf32>
    %swap3A_77 = arith.constant 0 : index
    %swap3A_78 = arith.constant 0 : index
    %swap3A_79 = arith.constant 0 : index
    %swap3A_80 = vector.load %arg4[%swap3A_77, %swap3A_78, %swap3A_79] : memref<8x64x576xf32, #tpu.memory_space<vmem>>, vector<1x64x576xf32>
    %swap3A_81 = vector.shape_cast %swap3A_80 : vector<1x64x576xf32> to vector<64x576xf32>
    %swap3A_82 = vector.shape_cast %select_n3A_76 : vector<64x576xf32> to vector<1x64x576xf32>
    tpu.vector_store %arg4[%swap3A_77, %swap3A_78, %swap3A_79], %swap3A_82 {strides = array<i32>} : memref<8x64x576xf32, #tpu.memory_space<vmem>>, vector<1x64x576xf32>,
    %sub3A_83 = arith.subf %select_n3A_76, %get3A_2 : vector<64x576xf32>
    %add3A_84 = arith.addf %get3A_2, %sub3A_83 : vector<64x576xf32>
    %swap3A_85 = arith.constant 0 : index
    %swap3A_86 = arith.constant 0 : index
    %swap3A_87 = arith.constant 0 : index
    %swap3A_88 = vector.load %arg5[%swap3A_85, %swap3A_86, %swap3A_87] : memref<8x64x576xf32, #tpu.memory_space<vmem>>, vector<1x64x576xf32>
    %swap3A_89 = vector.shape_cast %swap3A_88 : vector<1x64x576xf32> to vector<64x576xf32>
    %swap3A_90 = vector.shape_cast %add3A_84 : vector<64x576xf32> to vector<1x64x576xf32>
    tpu.vector_store %arg5[%swap3A_85, %swap3A_86, %swap3A_87], %swap3A_90 {strides = array<i32>} : memref<8x64x576xf32, #tpu.memory_space<vmem>>, vector<1x64x576xf32>,
    %eq3A_91 = vector.broadcast %select_n3A : vector<1x576xi32> to vector<512x576xi32>
    %eq3A_92 = arith.cmpi eq, %iota3A, %eq3A_91 : vector<512x576xi32>
    %convert_element_type3A = arith.extui %eq3A_92 : vector<512x576xi1> to vector<512x576xi32>
    %convert_element_type3A_93 = arith.sitofp %convert_element_type3A : vector<512x576xi32> to vector<512x576xf32>
    %reduce_sum3A = arith.constant dense<0.000000e+00> : vector<512xf32>
    %reduce_sum3A_94 = vector.multi_reduction <add>, %convert_element_type3A_93, %reduce_sum3A [1] : vector<512x576xf32> to vector<512xf32>
    %broadcast_in_dim3A_95 = vector.shape_cast %reduce_sum3A_94 : vector<512xf32> to vector<512x1xf32>
    %add3A_96 = arith.addf %broadcast_in_dim3A_0, %broadcast_in_dim3A_95 : vector<512x1xf32>
    %get3A_97 = arith.constant 64 : index
    %get3A_98 = arith.constant 0 : index
    %get3A_99 = vector.load %arg0[%get3A_97, %get3A_98] : memref<512x576xf32, #tpu.memory_space<vmem>>, vector<64x576xf32>
    %get3A_100 = arith.constant 576 : index
    %get3A_101 = arith.constant 0 : index
    %get3A_102 = vector.load %arg1[%get3A_100, %get3A_101] : memref<9216x128xf32, #tpu.memory_space<vmem>>, vector<576x64xf32>
    %transpose3A_103 = tpu.transpose %get3A_102, [1, 0] : vector<576x64xf32> -> vector<64x576xf32>
    %get3A_104 = arith.constant 5184 : index
    %get3A_105 = arith.constant 0 : index
    %get3A_106 = vector.load %arg1[%get3A_104, %get3A_105] : memref<9216x128xf32, #tpu.memory_space<vmem>>, vector<576x64xf32>
    %transpose3A_107 = tpu.transpose %get3A_106, [1, 0] : vector<576x64xf32> -> vector<64x576xf32>
    %sub3A_108 = arith.subf %get3A_99, %transpose3A_103 : vector<64x576xf32>
    %mul3A_109 = arith.mulf %sub3A_108, %sub3A_108 : vector<64x576xf32>
    %reshape3A_110 = vector.shape_cast %mul3A_109 : vector<64x576xf32> to vector<8x8x576xf32>
    %slice3A_111 = vector.extract_strided_slice %reshape3A_110 {offsets = [0, 0, 0], sizes = [8, 4, 576], strides = [1, 1, 1]} : vector<8x8x576xf32> to vector<8x4x576xf32>
    %slice3A_112 = vector.extract_strided_slice %reshape3A_110 {offsets = [0, 4, 0], sizes = [8, 4, 576], strides = [1, 1, 1]} : vector<8x8x576xf32> to vector<8x4x576xf32>
    %add3A_113 = arith.addf %slice3A_111, %slice3A_112 : vector<8x4x576xf32>
    %slice3A_114 = vector.extract_strided_slice %add3A_113 {offsets = [0, 0, 0], sizes = [8, 2, 576], strides = [1, 1, 1]} : vector<8x4x576xf32> to vector<8x2x576xf32>
    %slice3A_115 = vector.extract_strided_slice %add3A_113 {offsets = [0, 2, 0], sizes = [8, 2, 576], strides = [1, 1, 1]} : vector<8x4x576xf32> to vector<8x2x576xf32>
    %add3A_116 = arith.addf %slice3A_114, %slice3A_115 : vector<8x2x576xf32>
    %slice3A_117 = vector.extract_strided_slice %add3A_116 {offsets = [0, 0, 0], sizes = [8, 1, 576], strides = [1, 1, 1]} : vector<8x2x576xf32> to vector<8x1x576xf32>
    %slice3A_118 = vector.extract_strided_slice %add3A_116 {offsets = [0, 1, 0], sizes = [8, 1, 576], strides = [1, 1, 1]} : vector<8x2x576xf32> to vector<8x1x576xf32>
    %add3A_119 = arith.addf %slice3A_117, %slice3A_118 : vector<8x1x576xf32>
    %reshape3A_120 = vector.shape_cast %add3A_119 : vector<8x1x576xf32> to vector<8x576xf32>
    %slice3A_121 = vector.extract_strided_slice %reshape3A_120 {offsets = [0, 0], sizes = [1, 576], strides = [1, 1]} : vector<8x576xf32> to vector<1x576xf32>
    %slice3A_122 = vector.extract_strided_slice %reshape3A_120 {offsets = [1, 0], sizes = [1, 576], strides = [1, 1]} : vector<8x576xf32> to vector<1x576xf32>
    %add3A_123 = arith.addf %slice3A_121, %slice3A_122 : vector<1x576xf32>
    %slice3A_124 = vector.extract_strided_slice %reshape3A_120 {offsets = [2, 0], sizes = [1, 576], strides = [1, 1]} : vector<8x576xf32> to vector<1x576xf32>
    %add3A_125 = arith.addf %add3A_123, %slice3A_124 : vector<1x576xf32>
    %slice3A_126 = vector.extract_strided_slice %reshape3A_120 {offsets = [3, 0], sizes = [1, 576], strides = [1, 1]} : vector<8x576xf32> to vector<1x576xf32>
    %add3A_127 = arith.addf %add3A_125, %slice3A_126 : vector<1x576xf32>
    %slice3A_128 = vector.extract_strided_slice %reshape3A_120 {offsets = [4, 0], sizes = [1, 576], strides = [1, 1]} : vector<8x576xf32> to vector<1x576xf32>
    %add3A_129 = arith.addf %add3A_127, %slice3A_128 : vector<1x576xf32>
    %slice3A_130 = vector.extract_strided_slice %reshape3A_120 {offsets = [5, 0], sizes = [1, 576], strides = [1, 1]} : vector<8x576xf32> to vector<1x576xf32>
    %add3A_131 = arith.addf %add3A_129, %slice3A_130 : vector<1x576xf32>
    %slice3A_132 = vector.extract_strided_slice %reshape3A_120 {offsets = [6, 0], sizes = [1, 576], strides = [1, 1]} : vector<8x576xf32> to vector<1x576xf32>
    %add3A_133 = arith.addf %add3A_131, %slice3A_132 : vector<1x576xf32>
    %slice3A_134 = vector.extract_strided_slice %reshape3A_120 {offsets = [7, 0], sizes = [1, 576], strides = [1, 1]} : vector<8x576xf32> to vector<1x576xf32>
    %add3A_135 = arith.addf %add3A_133, %slice3A_134 : vector<1x576xf32>
    %sub3A_136 = arith.subf %get3A_99, %transpose3A_107 : vector<64x576xf32>
    %mul3A_137 = arith.mulf %sub3A_136, %sub3A_136 : vector<64x576xf32>
    %reshape3A_138 = vector.shape_cast %mul3A_137 : vector<64x576xf32> to vector<8x8x576xf32>
    %slice3A_139 = vector.extract_strided_slice %reshape3A_138 {offsets = [0, 0, 0], sizes = [8, 4, 576], strides = [1, 1, 1]} : vector<8x8x576xf32> to vector<8x4x576xf32>
    %slice3A_140 = vector.extract_strided_slice %reshape3A_138 {offsets = [0, 4, 0], sizes = [8, 4, 576], strides = [1, 1, 1]} : vector<8x8x576xf32> to vector<8x4x576xf32>
    %add3A_141 = arith.addf %slice3A_139, %slice3A_140 : vector<8x4x576xf32>
    %slice3A_142 = vector.extract_strided_slice %add3A_141 {offsets = [0, 0, 0], sizes = [8, 2, 576], strides = [1, 1, 1]} : vector<8x4x576xf32> to vector<8x2x576xf32>
    %slice3A_143 = vector.extract_strided_slice %add3A_141 {offsets = [0, 2, 0], sizes = [8, 2, 576], strides = [1, 1, 1]} : vector<8x4x576xf32> to vector<8x2x576xf32>
    %add3A_144 = arith.addf %slice3A_142, %slice3A_143 : vector<8x2x576xf32>
    %slice3A_145 = vector.extract_strided_slice %add3A_144 {offsets = [0, 0, 0], sizes = [8, 1, 576], strides = [1, 1, 1]} : vector<8x2x576xf32> to vector<8x1x576xf32>
    %slice3A_146 = vector.extract_strided_slice %add3A_144 {offsets = [0, 1, 0], sizes = [8, 1, 576], strides = [1, 1, 1]} : vector<8x2x576xf32> to vector<8x1x576xf32>
    %add3A_147 = arith.addf %slice3A_145, %slice3A_146 : vector<8x1x576xf32>
    %reshape3A_148 = vector.shape_cast %add3A_147 : vector<8x1x576xf32> to vector<8x576xf32>
    %slice3A_149 = vector.extract_strided_slice %reshape3A_148 {offsets = [0, 0], sizes = [1, 576], strides = [1, 1]} : vector<8x576xf32> to vector<1x576xf32>
    %slice3A_150 = vector.extract_strided_slice %reshape3A_148 {offsets = [1, 0], sizes = [1, 576], strides = [1, 1]} : vector<8x576xf32> to vector<1x576xf32>
    %add3A_151 = arith.addf %slice3A_149, %slice3A_150 : vector<1x576xf32>
    %slice3A_152 = vector.extract_strided_slice %reshape3A_148 {offsets = [2, 0], sizes = [1, 576], strides = [1, 1]} : vector<8x576xf32> to vector<1x576xf32>
    %add3A_153 = arith.addf %add3A_151, %slice3A_152 : vector<1x576xf32>
    %slice3A_154 = vector.extract_strided_slice %reshape3A_148 {offsets = [3, 0], sizes = [1, 576], strides = [1, 1]} : vector<8x576xf32> to vector<1x576xf32>
    %add3A_155 = arith.addf %add3A_153, %slice3A_154 : vector<1x576xf32>
    %slice3A_156 = vector.extract_strided_slice %reshape3A_148 {offsets = [4, 0], sizes = [1, 576], strides = [1, 1]} : vector<8x576xf32> to vector<1x576xf32>
    %add3A_157 = arith.addf %add3A_155, %slice3A_156 : vector<1x576xf32>
    %slice3A_158 = vector.extract_strided_slice %reshape3A_148 {offsets = [5, 0], sizes = [1, 576], strides = [1, 1]} : vector<8x576xf32> to vector<1x576xf32>
    %add3A_159 = arith.addf %add3A_157, %slice3A_158 : vector<1x576xf32>
    %slice3A_160 = vector.extract_strided_slice %reshape3A_148 {offsets = [6, 0], sizes = [1, 576], strides = [1, 1]} : vector<8x576xf32> to vector<1x576xf32>
    %add3A_161 = arith.addf %add3A_159, %slice3A_160 : vector<1x576xf32>
    %slice3A_162 = vector.extract_strided_slice %reshape3A_148 {offsets = [7, 0], sizes = [1, 576], strides = [1, 1]} : vector<8x576xf32> to vector<1x576xf32>
    %add3A_163 = arith.addf %add3A_161, %slice3A_162 : vector<1x576xf32>
    %get3A_164 = arith.constant 0 : index
    %get3A_165 = arith.constant 1 : index
    %get3A_166 = arith.constant 0 : index
    %get3A_167 = vector.load %arg2[%get3A_164, %get3A_165, %get3A_166] : memref<2x8x576xi32, #tpu.memory_space<vmem>>, vector<1x1x576xi32>
    %get3A_168 = vector.shape_cast %get3A_167 : vector<1x1x576xi32> to vector<1x576xi32>
    %get3A_169 = arith.constant 1 : index
    %get3A_170 = arith.constant 1 : index
    %get3A_171 = arith.constant 0 : index
    %get3A_172 = vector.load %arg2[%get3A_169, %get3A_170, %get3A_171] : memref<2x8x576xi32, #tpu.memory_space<vmem>>, vector<1x1x576xi32>
    %get3A_173 = vector.shape_cast %get3A_172 : vector<1x1x576xi32> to vector<1x576xi32>
    %lt3A_174 = arith.cmpf olt, %add3A_163, %add3A_135 : vector<1x576xf32>
    %eq3A_175 = arith.cmpf oeq, %add3A_163, %add3A_135 : vector<1x576xf32>
    %lt3A_176 = arith.cmpi slt, %get3A_173, %get3A_168 : vector<1x576xi32>
    %and3A_177 = arith.andi %eq3A_175, %lt3A_176 : vector<1x576xi1>
    %or3A_178 = arith.ori %lt3A_174, %and3A_177 : vector<1x576xi1>
    %select_n3A_179 = arith.select %or3A_178, %get3A_173, %get3A_168 : vector<1x576xi1>, vector<1x576xi32>
    %swap3A_180 = arith.constant 1 : index
    %swap3A_181 = arith.constant 0 : index
    %swap3A_182 = vector.load %arg3[%swap3A_180, %swap3A_181] : memref<8x576xi32, #tpu.memory_space<vmem>>, vector<1x576xi32>
    tpu.vector_store %arg3[%swap3A_180, %swap3A_181], %select_n3A_179 {strides = array<i32>} : memref<8x576xi32, #tpu.memory_space<vmem>>, vector<1x576xi32>,
    %broadcast_in_dim3A_183 = vector.shape_cast %or3A_178 : vector<1x576xi1> to vector<1x576xi1>
    %broadcast_in_dim3A_184 = vector.broadcast %broadcast_in_dim3A_183 : vector<1x576xi1> to vector<64x576xi1>
    %select_n3A_185 = arith.select %broadcast_in_dim3A_184, %transpose3A_107, %transpose3A_103 : vector<64x576xi1>, vector<64x576xf32>
    %swap3A_186 = arith.constant 1 : index
    %swap3A_187 = arith.constant 0 : index
    %swap3A_188 = arith.constant 0 : index
    %swap3A_189 = vector.load %arg4[%swap3A_186, %swap3A_187, %swap3A_188] : memref<8x64x576xf32, #tpu.memory_space<vmem>>, vector<1x64x576xf32>
    %swap3A_190 = vector.shape_cast %swap3A_189 : vector<1x64x576xf32> to vector<64x576xf32>
    %swap3A_191 = vector.shape_cast %select_n3A_185 : vector<64x576xf32> to vector<1x64x576xf32>
    tpu.vector_store %arg4[%swap3A_186, %swap3A_187, %swap3A_188], %swap3A_191 {strides = array<i32>} : memref<8x64x576xf32, #tpu.memory_space<vmem>>, vector<1x64x576xf32>,
    %sub3A_192 = arith.subf %select_n3A_185, %get3A_99 : vector<64x576xf32>
    %add3A_193 = arith.addf %get3A_99, %sub3A_192 : vector<64x576xf32>
    %swap3A_194 = arith.constant 1 : index
    %swap3A_195 = arith.constant 0 : index
    %swap3A_196 = arith.constant 0 : index
    %swap3A_197 = vector.load %arg5[%swap3A_194, %swap3A_195, %swap3A_196] : memref<8x64x576xf32, #tpu.memory_space<vmem>>, vector<1x64x576xf32>
    %swap3A_198 = vector.shape_cast %swap3A_197 : vector<1x64x576xf32> to vector<64x576xf32>
    %swap3A_199 = vector.shape_cast %add3A_193 : vector<64x576xf32> to vector<1x64x576xf32>
    tpu.vector_store %arg5[%swap3A_194, %swap3A_195, %swap3A_196], %swap3A_199 {strides = array<i32>} : memref<8x64x576xf32, #tpu.memory_space<vmem>>, vector<1x64x576xf32>,
    %eq3A_200 = vector.broadcast %select_n3A_179 : vector<1x576xi32> to vector<512x576xi32>
    %eq3A_201 = arith.cmpi eq, %iota3A, %eq3A_200 : vector<512x576xi32>
    %convert_element_type3A_202 = arith.extui %eq3A_201 : vector<512x576xi1> to vector<512x576xi32>
    %convert_element_type3A_203 = arith.sitofp %convert_element_type3A_202 : vector<512x576xi32> to vector<512x576xf32>
    %reduce_sum3A_204 = arith.constant dense<0.000000e+00> : vector<512xf32>
    %reduce_sum3A_205 = vector.multi_reduction <add>, %convert_element_type3A_203, %reduce_sum3A_204 [1] : vector<512x576xf32> to vector<512xf32>
    %broadcast_in_dim3A_206 = vector.shape_cast %reduce_sum3A_205 : vector<512xf32> to vector<512x1xf32>
    %add3A_207 = arith.addf %add3A_96, %broadcast_in_dim3A_206 : vector<512x1xf32>
    %get3A_208 = arith.constant 128 : index
    %get3A_209 = arith.constant 0 : index
    %get3A_210 = vector.load %arg0[%get3A_208, %get3A_209] : memref<512x576xf32, #tpu.memory_space<vmem>>, vector<64x576xf32>
    %get3A_211 = arith.constant 1152 : index
    %get3A_212 = arith.constant 0 : index
    %get3A_213 = vector.load %arg1[%get3A_211, %get3A_212] : memref<9216x128xf32, #tpu.memory_space<vmem>>, vector<576x64xf32>
    %transpose3A_214 = tpu.transpose %get3A_213, [1, 0] : vector<576x64xf32> -> vector<64x576xf32>
    %get3A_215 = arith.constant 5760 : index
    %get3A_216 = arith.constant 0 : index
    %get3A_217 = vector.load %arg1[%get3A_215, %get3A_216] : memref<9216x128xf32, #tpu.memory_space<vmem>>, vector<576x64xf32>
    %transpose3A_218 = tpu.transpose %get3A_217, [1, 0] : vector<576x64xf32> -> vector<64x576xf32>
    %sub3A_219 = arith.subf %get3A_210, %transpose3A_214 : vector<64x576xf32>
    %mul3A_220 = arith.mulf %sub3A_219, %sub3A_219 : vector<64x576xf32>
    %reshape3A_221 = vector.shape_cast %mul3A_220 : vector<64x576xf32> to vector<8x8x576xf32>
    %slice3A_222 = vector.extract_strided_slice %reshape3A_221 {offsets = [0, 0, 0], sizes = [8, 4, 576], strides = [1, 1, 1]} : vector<8x8x576xf32> to vector<8x4x576xf32>
    %slice3A_223 = vector.extract_strided_slice %reshape3A_221 {offsets = [0, 4, 0], sizes = [8, 4, 576], strides = [1, 1, 1]} : vector<8x8x576xf32> to vector<8x4x576xf32>
    %add3A_224 = arith.addf %slice3A_222, %slice3A_223 : vector<8x4x576xf32>
    %slice3A_225 = vector.extract_strided_slice %add3A_224 {offsets = [0, 0, 0], sizes = [8, 2, 576], strides = [1, 1, 1]} : vector<8x4x576xf32> to vector<8x2x576xf32>
    %slice3A_226 = vector.extract_strided_slice %add3A_224 {offsets = [0, 2, 0], sizes = [8, 2, 576], strides = [1, 1, 1]} : vector<8x4x576xf32> to vector<8x2x576xf32>
    %add3A_227 = arith.addf %slice3A_225, %slice3A_226 : vector<8x2x576xf32>
    %slice3A_228 = vector.extract_strided_slice %add3A_227 {offsets = [0, 0, 0], sizes = [8, 1, 576], strides = [1, 1, 1]} : vector<8x2x576xf32> to vector<8x1x576xf32>
    %slice3A_229 = vector.extract_strided_slice %add3A_227 {offsets = [0, 1, 0], sizes = [8, 1, 576], strides = [1, 1, 1]} : vector<8x2x576xf32> to vector<8x1x576xf32>
    %add3A_230 = arith.addf %slice3A_228, %slice3A_229 : vector<8x1x576xf32>
    %reshape3A_231 = vector.shape_cast %add3A_230 : vector<8x1x576xf32> to vector<8x576xf32>
    %slice3A_232 = vector.extract_strided_slice %reshape3A_231 {offsets = [0, 0], sizes = [1, 576], strides = [1, 1]} : vector<8x576xf32> to vector<1x576xf32>
    %slice3A_233 = vector.extract_strided_slice %reshape3A_231 {offsets = [1, 0], sizes = [1, 576], strides = [1, 1]} : vector<8x576xf32> to vector<1x576xf32>
    %add3A_234 = arith.addf %slice3A_232, %slice3A_233 : vector<1x576xf32>
    %slice3A_235 = vector.extract_strided_slice %reshape3A_231 {offsets = [2, 0], sizes = [1, 576], strides = [1, 1]} : vector<8x576xf32> to vector<1x576xf32>
    %add3A_236 = arith.addf %add3A_234, %slice3A_235 : vector<1x576xf32>
    %slice3A_237 = vector.extract_strided_slice %reshape3A_231 {offsets = [3, 0], sizes = [1, 576], strides = [1, 1]} : vector<8x576xf32> to vector<1x576xf32>
    %add3A_238 = arith.addf %add3A_236, %slice3A_237 : vector<1x576xf32>
    %slice3A_239 = vector.extract_strided_slice %reshape3A_231 {offsets = [4, 0], sizes = [1, 576], strides = [1, 1]} : vector<8x576xf32> to vector<1x576xf32>
    %add3A_240 = arith.addf %add3A_238, %slice3A_239 : vector<1x576xf32>
    %slice3A_241 = vector.extract_strided_slice %reshape3A_231 {offsets = [5, 0], sizes = [1, 576], strides = [1, 1]} : vector<8x576xf32> to vector<1x576xf32>
    %add3A_242 = arith.addf %add3A_240, %slice3A_241 : vector<1x576xf32>
    %slice3A_243 = vector.extract_strided_slice %reshape3A_231 {offsets = [6, 0], sizes = [1, 576], strides = [1, 1]} : vector<8x576xf32> to vector<1x576xf32>
    %add3A_244 = arith.addf %add3A_242, %slice3A_243 : vector<1x576xf32>
    %slice3A_245 = vector.extract_strided_slice %reshape3A_231 {offsets = [7, 0], sizes = [1, 576], strides = [1, 1]} : vector<8x576xf32> to vector<1x576xf32>
    %add3A_246 = arith.addf %add3A_244, %slice3A_245 : vector<1x576xf32>
    %sub3A_247 = arith.subf %get3A_210, %transpose3A_218 : vector<64x576xf32>
    %mul3A_248 = arith.mulf %sub3A_247, %sub3A_247 : vector<64x576xf32>
    %reshape3A_249 = vector.shape_cast %mul3A_248 : vector<64x576xf32> to vector<8x8x576xf32>
    %slice3A_250 = vector.extract_strided_slice %reshape3A_249 {offsets = [0, 0, 0], sizes = [8, 4, 576], strides = [1, 1, 1]} : vector<8x8x576xf32> to vector<8x4x576xf32>
    %slice3A_251 = vector.extract_strided_slice %reshape3A_249 {offsets = [0, 4, 0], sizes = [8, 4, 576], strides = [1, 1, 1]} : vector<8x8x576xf32> to vector<8x4x576xf32>
    %add3A_252 = arith.addf %slice3A_250, %slice3A_251 : vector<8x4x576xf32>
    %slice3A_253 = vector.extract_strided_slice %add3A_252 {offsets = [0, 0, 0], sizes = [8, 2, 576], strides = [1, 1, 1]} : vector<8x4x576xf32> to vector<8x2x576xf32>
    %slice3A_254 = vector.extract_strided_slice %add3A_252 {offsets = [0, 2, 0], sizes = [8, 2, 576], strides = [1, 1, 1]} : vector<8x4x576xf32> to vector<8x2x576xf32>
    %add3A_255 = arith.addf %slice3A_253, %slice3A_254 : vector<8x2x576xf32>
    %slice3A_256 = vector.extract_strided_slice %add3A_255 {offsets = [0, 0, 0], sizes = [8, 1, 576], strides = [1, 1, 1]} : vector<8x2x576xf32> to vector<8x1x576xf32>
    %slice3A_257 = vector.extract_strided_slice %add3A_255 {offsets = [0, 1, 0], sizes = [8, 1, 576], strides = [1, 1, 1]} : vector<8x2x576xf32> to vector<8x1x576xf32>
    %add3A_258 = arith.addf %slice3A_256, %slice3A_257 : vector<8x1x576xf32>
    %reshape3A_259 = vector.shape_cast %add3A_258 : vector<8x1x576xf32> to vector<8x576xf32>
    %slice3A_260 = vector.extract_strided_slice %reshape3A_259 {offsets = [0, 0], sizes = [1, 576], strides = [1, 1]} : vector<8x576xf32> to vector<1x576xf32>
    %slice3A_261 = vector.extract_strided_slice %reshape3A_259 {offsets = [1, 0], sizes = [1, 576], strides = [1, 1]} : vector<8x576xf32> to vector<1x576xf32>
    %add3A_262 = arith.addf %slice3A_260, %slice3A_261 : vector<1x576xf32>
    %slice3A_263 = vector.extract_strided_slice %reshape3A_259 {offsets = [2, 0], sizes = [1, 576], strides = [1, 1]} : vector<8x576xf32> to vector<1x576xf32>
    %add3A_264 = arith.addf %add3A_262, %slice3A_263 : vector<1x576xf32>
    %slice3A_265 = vector.extract_strided_slice %reshape3A_259 {offsets = [3, 0], sizes = [1, 576], strides = [1, 1]} : vector<8x576xf32> to vector<1x576xf32>
    %add3A_266 = arith.addf %add3A_264, %slice3A_265 : vector<1x576xf32>
    %slice3A_267 = vector.extract_strided_slice %reshape3A_259 {offsets = [4, 0], sizes = [1, 576], strides = [1, 1]} : vector<8x576xf32> to vector<1x576xf32>
    %add3A_268 = arith.addf %add3A_266, %slice3A_267 : vector<1x576xf32>
    %slice3A_269 = vector.extract_strided_slice %reshape3A_259 {offsets = [5, 0], sizes = [1, 576], strides = [1, 1]} : vector<8x576xf32> to vector<1x576xf32>
    %add3A_270 = arith.addf %add3A_268, %slice3A_269 : vector<1x576xf32>
    %slice3A_271 = vector.extract_strided_slice %reshape3A_259 {offsets = [6, 0], sizes = [1, 576], strides = [1, 1]} : vector<8x576xf32> to vector<1x576xf32>
    %add3A_272 = arith.addf %add3A_270, %slice3A_271 : vector<1x576xf32>
    %slice3A_273 = vector.extract_strided_slice %reshape3A_259 {offsets = [7, 0], sizes = [1, 576], strides = [1, 1]} : vector<8x576xf32> to vector<1x576xf32>
    %add3A_274 = arith.addf %add3A_272, %slice3A_273 : vector<1x576xf32>
    %get3A_275 = arith.constant 0 : index
    %get3A_276 = arith.constant 2 : index
    %get3A_277 = arith.constant 0 : index
    %get3A_278 = vector.load %arg2[%get3A_275, %get3A_276, %get3A_277] : memref<2x8x576xi32, #tpu.memory_space<vmem>>, vector<1x1x576xi32>
    %get3A_279 = vector.shape_cast %get3A_278 : vector<1x1x576xi32> to vector<1x576xi32>
    %get3A_280 = arith.constant 1 : index
    %get3A_281 = arith.constant 2 : index
    %get3A_282 = arith.constant 0 : index
    %get3A_283 = vector.load %arg2[%get3A_280, %get3A_281, %get3A_282] : memref<2x8x576xi32, #tpu.memory_space<vmem>>, vector<1x1x576xi32>
    %get3A_284 = vector.shape_cast %get3A_283 : vector<1x1x576xi32> to vector<1x576xi32>
    %lt3A_285 = arith.cmpf olt, %add3A_274, %add3A_246 : vector<1x576xf32>
    %eq3A_286 = arith.cmpf oeq, %add3A_274, %add3A_246 : vector<1x576xf32>
    %lt3A_287 = arith.cmpi slt, %get3A_284, %get3A_279 : vector<1x576xi32>
    %and3A_288 = arith.andi %eq3A_286, %lt3A_287 : vector<1x576xi1>
    %or3A_289 = arith.ori %lt3A_285, %and3A_288 : vector<1x576xi1>
    %select_n3A_290 = arith.select %or3A_289, %get3A_284, %get3A_279 : vector<1x576xi1>, vector<1x576xi32>
    %swap3A_291 = arith.constant 2 : index
    %swap3A_292 = arith.constant 0 : index
    %swap3A_293 = vector.load %arg3[%swap3A_291, %swap3A_292] : memref<8x576xi32, #tpu.memory_space<vmem>>, vector<1x576xi32>
    tpu.vector_store %arg3[%swap3A_291, %swap3A_292], %select_n3A_290 {strides = array<i32>} : memref<8x576xi32, #tpu.memory_space<vmem>>, vector<1x576xi32>,
    %broadcast_in_dim3A_294 = vector.shape_cast %or3A_289 : vector<1x576xi1> to vector<1x576xi1>
    %broadcast_in_dim3A_295 = vector.broadcast %broadcast_in_dim3A_294 : vector<1x576xi1> to vector<64x576xi1>
    %select_n3A_296 = arith.select %broadcast_in_dim3A_295, %transpose3A_218, %transpose3A_214 : vector<64x576xi1>, vector<64x576xf32>
    %swap3A_297 = arith.constant 2 : index
    %swap3A_298 = arith.constant 0 : index
    %swap3A_299 = arith.constant 0 : index
    %swap3A_300 = vector.load %arg4[%swap3A_297, %swap3A_298, %swap3A_299] : memref<8x64x576xf32, #tpu.memory_space<vmem>>, vector<1x64x576xf32>
    %swap3A_301 = vector.shape_cast %swap3A_300 : vector<1x64x576xf32> to vector<64x576xf32>
    %swap3A_302 = vector.shape_cast %select_n3A_296 : vector<64x576xf32> to vector<1x64x576xf32>
    tpu.vector_store %arg4[%swap3A_297, %swap3A_298, %swap3A_299], %swap3A_302 {strides = array<i32>} : memref<8x64x576xf32, #tpu.memory_space<vmem>>, vector<1x64x576xf32>,
    %sub3A_303 = arith.subf %select_n3A_296, %get3A_210 : vector<64x576xf32>
    %add3A_304 = arith.addf %get3A_210, %sub3A_303 : vector<64x576xf32>
    %swap3A_305 = arith.constant 2 : index
    %swap3A_306 = arith.constant 0 : index
    %swap3A_307 = arith.constant 0 : index
    %swap3A_308 = vector.load %arg5[%swap3A_305, %swap3A_306, %swap3A_307] : memref<8x64x576xf32, #tpu.memory_space<vmem>>, vector<1x64x576xf32>
    %swap3A_309 = vector.shape_cast %swap3A_308 : vector<1x64x576xf32> to vector<64x576xf32>
    %swap3A_310 = vector.shape_cast %add3A_304 : vector<64x576xf32> to vector<1x64x576xf32>
    tpu.vector_store %arg5[%swap3A_305, %swap3A_306, %swap3A_307], %swap3A_310 {strides = array<i32>} : memref<8x64x576xf32, #tpu.memory_space<vmem>>, vector<1x64x576xf32>,
    %eq3A_311 = vector.broadcast %select_n3A_290 : vector<1x576xi32> to vector<512x576xi32>
    %eq3A_312 = arith.cmpi eq, %iota3A, %eq3A_311 : vector<512x576xi32>
    %convert_element_type3A_313 = arith.extui %eq3A_312 : vector<512x576xi1> to vector<512x576xi32>
    %convert_element_type3A_314 = arith.sitofp %convert_element_type3A_313 : vector<512x576xi32> to vector<512x576xf32>
    %reduce_sum3A_315 = arith.constant dense<0.000000e+00> : vector<512xf32>
    %reduce_sum3A_316 = vector.multi_reduction <add>, %convert_element_type3A_314, %reduce_sum3A_315 [1] : vector<512x576xf32> to vector<512xf32>
    %broadcast_in_dim3A_317 = vector.shape_cast %reduce_sum3A_316 : vector<512xf32> to vector<512x1xf32>
    %add3A_318 = arith.addf %add3A_207, %broadcast_in_dim3A_317 : vector<512x1xf32>
    %get3A_319 = arith.constant 192 : index
    %get3A_320 = arith.constant 0 : index
    %get3A_321 = vector.load %arg0[%get3A_319, %get3A_320] : memref<512x576xf32, #tpu.memory_space<vmem>>, vector<64x576xf32>
    %get3A_322 = arith.constant 1728 : index
    %get3A_323 = arith.constant 0 : index
    %get3A_324 = vector.load %arg1[%get3A_322, %get3A_323] : memref<9216x128xf32, #tpu.memory_space<vmem>>, vector<576x64xf32>
    %transpose3A_325 = tpu.transpose %get3A_324, [1, 0] : vector<576x64xf32> -> vector<64x576xf32>
    %get3A_326 = arith.constant 6336 : index
    %get3A_327 = arith.constant 0 : index
    %get3A_328 = vector.load %arg1[%get3A_326, %get3A_327] : memref<9216x128xf32, #tpu.memory_space<vmem>>, vector<576x64xf32>
    %transpose3A_329 = tpu.transpose %get3A_328, [1, 0] : vector<576x64xf32> -> vector<64x576xf32>
    %sub3A_330 = arith.subf %get3A_321, %transpose3A_325 : vector<64x576xf32>
    %mul3A_331 = arith.mulf %sub3A_330, %sub3A_330 : vector<64x576xf32>
    %reshape3A_332 = vector.shape_cast %mul3A_331 : vector<64x576xf32> to vector<8x8x576xf32>
    %slice3A_333 = vector.extract_strided_slice %reshape3A_332 {offsets = [0, 0, 0], sizes = [8, 4, 576], strides = [1, 1, 1]} : vector<8x8x576xf32> to vector<8x4x576xf32>
    %slice3A_334 = vector.extract_strided_slice %reshape3A_332 {offsets = [0, 4, 0], sizes = [8, 4, 576], strides = [1, 1, 1]} : vector<8x8x576xf32> to vector<8x4x576xf32>
    %add3A_335 = arith.addf %slice3A_333, %slice3A_334 : vector<8x4x576xf32>
    %slice3A_336 = vector.extract_strided_slice %add3A_335 {offsets = [0, 0, 0], sizes = [8, 2, 576], strides = [1, 1, 1]} : vector<8x4x576xf32> to vector<8x2x576xf32>
    %slice3A_337 = vector.extract_strided_slice %add3A_335 {offsets = [0, 2, 0], sizes = [8, 2, 576], strides = [1, 1, 1]} : vector<8x4x576xf32> to vector<8x2x576xf32>
    %add3A_338 = arith.addf %slice3A_336, %slice3A_337 : vector<8x2x576xf32>
    %slice3A_339 = vector.extract_strided_slice %add3A_338 {offsets = [0, 0, 0], sizes = [8, 1, 576], strides = [1, 1, 1]} : vector<8x2x576xf32> to vector<8x1x576xf32>
    %slice3A_340 = vector.extract_strided_slice %add3A_338 {offsets = [0, 1, 0], sizes = [8, 1, 576], strides = [1, 1, 1]} : vector<8x2x576xf32> to vector<8x1x576xf32>
    %add3A_341 = arith.addf %slice3A_339, %slice3A_340 : vector<8x1x576xf32>
    %reshape3A_342 = vector.shape_cast %add3A_341 : vector<8x1x576xf32> to vector<8x576xf32>
    %slice3A_343 = vector.extract_strided_slice %reshape3A_342 {offsets = [0, 0], sizes = [1, 576], strides = [1, 1]} : vector<8x576xf32> to vector<1x576xf32>
    %slice3A_344 = vector.extract_strided_slice %reshape3A_342 {offsets = [1, 0], sizes = [1, 576], strides = [1, 1]} : vector<8x576xf32> to vector<1x576xf32>
    %add3A_345 = arith.addf %slice3A_343, %slice3A_344 : vector<1x576xf32>
    %slice3A_346 = vector.extract_strided_slice %reshape3A_342 {offsets = [2, 0], sizes = [1, 576], strides = [1, 1]} : vector<8x576xf32> to vector<1x576xf32>
    %add3A_347 = arith.addf %add3A_345, %slice3A_346 : vector<1x576xf32>
    %slice3A_348 = vector.extract_strided_slice %reshape3A_342 {offsets = [3, 0], sizes = [1, 576], strides = [1, 1]} : vector<8x576xf32> to vector<1x576xf32>
    %add3A_349 = arith.addf %add3A_347, %slice3A_348 : vector<1x576xf32>
    %slice3A_350 = vector.extract_strided_slice %reshape3A_342 {offsets = [4, 0], sizes = [1, 576], strides = [1, 1]} : vector<8x576xf32> to vector<1x576xf32>
    %add3A_351 = arith.addf %add3A_349, %slice3A_350 : vector<1x576xf32>
    %slice3A_352 = vector.extract_strided_slice %reshape3A_342 {offsets = [5, 0], sizes = [1, 576], strides = [1, 1]} : vector<8x576xf32> to vector<1x576xf32>
    %add3A_353 = arith.addf %add3A_351, %slice3A_352 : vector<1x576xf32>
    %slice3A_354 = vector.extract_strided_slice %reshape3A_342 {offsets = [6, 0], sizes = [1, 576], strides = [1, 1]} : vector<8x576xf32> to vector<1x576xf32>
    %add3A_355 = arith.addf %add3A_353, %slice3A_354 : vector<1x576xf32>
    %slice3A_356 = vector.extract_strided_slice %reshape3A_342 {offsets = [7, 0], sizes = [1, 576], strides = [1, 1]} : vector<8x576xf32> to vector<1x576xf32>
    %add3A_357 = arith.addf %add3A_355, %slice3A_356 : vector<1x576xf32>
    %sub3A_358 = arith.subf %get3A_321, %transpose3A_329 : vector<64x576xf32>
    %mul3A_359 = arith.mulf %sub3A_358, %sub3A_358 : vector<64x576xf32>
    %reshape3A_360 = vector.shape_cast %mul3A_359 : vector<64x576xf32> to vector<8x8x576xf32>
    %slice3A_361 = vector.extract_strided_slice %reshape3A_360 {offsets = [0, 0, 0], sizes = [8, 4, 576], strides = [1, 1, 1]} : vector<8x8x576xf32> to vector<8x4x576xf32>
    %slice3A_362 = vector.extract_strided_slice %reshape3A_360 {offsets = [0, 4, 0], sizes = [8, 4, 576], strides = [1, 1, 1]} : vector<8x8x576xf32> to vector<8x4x576xf32>
    %add3A_363 = arith.addf %slice3A_361, %slice3A_362 : vector<8x4x576xf32>
    %slice3A_364 = vector.extract_strided_slice %add3A_363 {offsets = [0, 0, 0], sizes = [8, 2, 576], strides = [1, 1, 1]} : vector<8x4x576xf32> to vector<8x2x576xf32>
    %slice3A_365 = vector.extract_strided_slice %add3A_363 {offsets = [0, 2, 0], sizes = [8, 2, 576], strides = [1, 1, 1]} : vector<8x4x576xf32> to vector<8x2x576xf32>
    %add3A_366 = arith.addf %slice3A_364, %slice3A_365 : vector<8x2x576xf32>
    %slice3A_367 = vector.extract_strided_slice %add3A_366 {offsets = [0, 0, 0], sizes = [8, 1, 576], strides = [1, 1, 1]} : vector<8x2x576xf32> to vector<8x1x576xf32>
    %slice3A_368 = vector.extract_strided_slice %add3A_366 {offsets = [0, 1, 0], sizes = [8, 1, 576], strides = [1, 1, 1]} : vector<8x2x576xf32> to vector<8x1x576xf32>
    %add3A_369 = arith.addf %slice3A_367, %slice3A_368 : vector<8x1x576xf32>
    %reshape3A_370 = vector.shape_cast %add3A_369 : vector<8x1x576xf32> to vector<8x576xf32>
    %slice3A_371 = vector.extract_strided_slice %reshape3A_370 {offsets = [0, 0], sizes = [1, 576], strides = [1, 1]} : vector<8x576xf32> to vector<1x576xf32>
    %slice3A_372 = vector.extract_strided_slice %reshape3A_370 {offsets = [1, 0], sizes = [1, 576], strides = [1, 1]} : vector<8x576xf32> to vector<1x576xf32>
    %add3A_373 = arith.addf %slice3A_371, %slice3A_372 : vector<1x576xf32>
    %slice3A_374 = vector.extract_strided_slice %reshape3A_370 {offsets = [2, 0], sizes = [1, 576], strides = [1, 1]} : vector<8x576xf32> to vector<1x576xf32>
    %add3A_375 = arith.addf %add3A_373, %slice3A_374 : vector<1x576xf32>
    %slice3A_376 = vector.extract_strided_slice %reshape3A_370 {offsets = [3, 0], sizes = [1, 576], strides = [1, 1]} : vector<8x576xf32> to vector<1x576xf32>
    %add3A_377 = arith.addf %add3A_375, %slice3A_376 : vector<1x576xf32>
    %slice3A_378 = vector.extract_strided_slice %reshape3A_370 {offsets = [4, 0], sizes = [1, 576], strides = [1, 1]} : vector<8x576xf32> to vector<1x576xf32>
    %add3A_379 = arith.addf %add3A_377, %slice3A_378 : vector<1x576xf32>
    %slice3A_380 = vector.extract_strided_slice %reshape3A_370 {offsets = [5, 0], sizes = [1, 576], strides = [1, 1]} : vector<8x576xf32> to vector<1x576xf32>
    %add3A_381 = arith.addf %add3A_379, %slice3A_380 : vector<1x576xf32>
    %slice3A_382 = vector.extract_strided_slice %reshape3A_370 {offsets = [6, 0], sizes = [1, 576], strides = [1, 1]} : vector<8x576xf32> to vector<1x576xf32>
    %add3A_383 = arith.addf %add3A_381, %slice3A_382 : vector<1x576xf32>
    %slice3A_384 = vector.extract_strided_slice %reshape3A_370 {offsets = [7, 0], sizes = [1, 576], strides = [1, 1]} : vector<8x576xf32> to vector<1x576xf32>
    %add3A_385 = arith.addf %add3A_383, %slice3A_384 : vector<1x576xf32>
    %get3A_386 = arith.constant 0 : index
    %get3A_387 = arith.constant 3 : index
    %get3A_388 = arith.constant 0 : index
    %get3A_389 = vector.load %arg2[%get3A_386, %get3A_387, %get3A_388] : memref<2x8x576xi32, #tpu.memory_space<vmem>>, vector<1x1x576xi32>
    %get3A_390 = vector.shape_cast %get3A_389 : vector<1x1x576xi32> to vector<1x576xi32>
    %get3A_391 = arith.constant 1 : index
    %get3A_392 = arith.constant 3 : index
    %get3A_393 = arith.constant 0 : index
    %get3A_394 = vector.load %arg2[%get3A_391, %get3A_392, %get3A_393] : memref<2x8x576xi32, #tpu.memory_space<vmem>>, vector<1x1x576xi32>
    %get3A_395 = vector.shape_cast %get3A_394 : vector<1x1x576xi32> to vector<1x576xi32>
    %lt3A_396 = arith.cmpf olt, %add3A_385, %add3A_357 : vector<1x576xf32>
    %eq3A_397 = arith.cmpf oeq, %add3A_385, %add3A_357 : vector<1x576xf32>
    %lt3A_398 = arith.cmpi slt, %get3A_395, %get3A_390 : vector<1x576xi32>
    %and3A_399 = arith.andi %eq3A_397, %lt3A_398 : vector<1x576xi1>
    %or3A_400 = arith.ori %lt3A_396, %and3A_399 : vector<1x576xi1>
    %select_n3A_401 = arith.select %or3A_400, %get3A_395, %get3A_390 : vector<1x576xi1>, vector<1x576xi32>
    %swap3A_402 = arith.constant 3 : index
    %swap3A_403 = arith.constant 0 : index
    %swap3A_404 = vector.load %arg3[%swap3A_402, %swap3A_403] : memref<8x576xi32, #tpu.memory_space<vmem>>, vector<1x576xi32>
    tpu.vector_store %arg3[%swap3A_402, %swap3A_403], %select_n3A_401 {strides = array<i32>} : memref<8x576xi32, #tpu.memory_space<vmem>>, vector<1x576xi32>,
    %broadcast_in_dim3A_405 = vector.shape_cast %or3A_400 : vector<1x576xi1> to vector<1x576xi1>
    %broadcast_in_dim3A_406 = vector.broadcast %broadcast_in_dim3A_405 : vector<1x576xi1> to vector<64x576xi1>
    %select_n3A_407 = arith.select %broadcast_in_dim3A_406, %transpose3A_329, %transpose3A_325 : vector<64x576xi1>, vector<64x576xf32>
    %swap3A_408 = arith.constant 3 : index
    %swap3A_409 = arith.constant 0 : index
    %swap3A_410 = arith.constant 0 : index
    %swap3A_411 = vector.load %arg4[%swap3A_408, %swap3A_409, %swap3A_410] : memref<8x64x576xf32, #tpu.memory_space<vmem>>, vector<1x64x576xf32>
    %swap3A_412 = vector.shape_cast %swap3A_411 : vector<1x64x576xf32> to vector<64x576xf32>
    %swap3A_413 = vector.shape_cast %select_n3A_407 : vector<64x576xf32> to vector<1x64x576xf32>
    tpu.vector_store %arg4[%swap3A_408, %swap3A_409, %swap3A_410], %swap3A_413 {strides = array<i32>} : memref<8x64x576xf32, #tpu.memory_space<vmem>>, vector<1x64x576xf32>,
    %sub3A_414 = arith.subf %select_n3A_407, %get3A_321 : vector<64x576xf32>
    %add3A_415 = arith.addf %get3A_321, %sub3A_414 : vector<64x576xf32>
    %swap3A_416 = arith.constant 3 : index
    %swap3A_417 = arith.constant 0 : index
    %swap3A_418 = arith.constant 0 : index
    %swap3A_419 = vector.load %arg5[%swap3A_416, %swap3A_417, %swap3A_418] : memref<8x64x576xf32, #tpu.memory_space<vmem>>, vector<1x64x576xf32>
    %swap3A_420 = vector.shape_cast %swap3A_419 : vector<1x64x576xf32> to vector<64x576xf32>
    %swap3A_421 = vector.shape_cast %add3A_415 : vector<64x576xf32> to vector<1x64x576xf32>
    tpu.vector_store %arg5[%swap3A_416, %swap3A_417, %swap3A_418], %swap3A_421 {strides = array<i32>} : memref<8x64x576xf32, #tpu.memory_space<vmem>>, vector<1x64x576xf32>,
    %eq3A_422 = vector.broadcast %select_n3A_401 : vector<1x576xi32> to vector<512x576xi32>
    %eq3A_423 = arith.cmpi eq, %iota3A, %eq3A_422 : vector<512x576xi32>
    %convert_element_type3A_424 = arith.extui %eq3A_423 : vector<512x576xi1> to vector<512x576xi32>
    %convert_element_type3A_425 = arith.sitofp %convert_element_type3A_424 : vector<512x576xi32> to vector<512x576xf32>
    %reduce_sum3A_426 = arith.constant dense<0.000000e+00> : vector<512xf32>
    %reduce_sum3A_427 = vector.multi_reduction <add>, %convert_element_type3A_425, %reduce_sum3A_426 [1] : vector<512x576xf32> to vector<512xf32>
    %broadcast_in_dim3A_428 = vector.shape_cast %reduce_sum3A_427 : vector<512xf32> to vector<512x1xf32>
    %add3A_429 = arith.addf %add3A_318, %broadcast_in_dim3A_428 : vector<512x1xf32>
    %get3A_430 = arith.constant 256 : index
    %get3A_431 = arith.constant 0 : index
    %get3A_432 = vector.load %arg0[%get3A_430, %get3A_431] : memref<512x576xf32, #tpu.memory_space<vmem>>, vector<64x576xf32>
    %get3A_433 = arith.constant 2304 : index
    %get3A_434 = arith.constant 0 : index
    %get3A_435 = vector.load %arg1[%get3A_433, %get3A_434] : memref<9216x128xf32, #tpu.memory_space<vmem>>, vector<576x64xf32>
    %transpose3A_436 = tpu.transpose %get3A_435, [1, 0] : vector<576x64xf32> -> vector<64x576xf32>
    %get3A_437 = arith.constant 6912 : index
    %get3A_438 = arith.constant 0 : index
    %get3A_439 = vector.load %arg1[%get3A_437, %get3A_438] : memref<9216x128xf32, #tpu.memory_space<vmem>>, vector<576x64xf32>
    %transpose3A_440 = tpu.transpose %get3A_439, [1, 0] : vector<576x64xf32> -> vector<64x576xf32>
    %sub3A_441 = arith.subf %get3A_432, %transpose3A_436 : vector<64x576xf32>
    %mul3A_442 = arith.mulf %sub3A_441, %sub3A_441 : vector<64x576xf32>
    %reshape3A_443 = vector.shape_cast %mul3A_442 : vector<64x576xf32> to vector<8x8x576xf32>
    %slice3A_444 = vector.extract_strided_slice %reshape3A_443 {offsets = [0, 0, 0], sizes = [8, 4, 576], strides = [1, 1, 1]} : vector<8x8x576xf32> to vector<8x4x576xf32>
    %slice3A_445 = vector.extract_strided_slice %reshape3A_443 {offsets = [0, 4, 0], sizes = [8, 4, 576], strides = [1, 1, 1]} : vector<8x8x576xf32> to vector<8x4x576xf32>
    %add3A_446 = arith.addf %slice3A_444, %slice3A_445 : vector<8x4x576xf32>
    %slice3A_447 = vector.extract_strided_slice %add3A_446 {offsets = [0, 0, 0], sizes = [8, 2, 576], strides = [1, 1, 1]} : vector<8x4x576xf32> to vector<8x2x576xf32>
    %slice3A_448 = vector.extract_strided_slice %add3A_446 {offsets = [0, 2, 0], sizes = [8, 2, 576], strides = [1, 1, 1]} : vector<8x4x576xf32> to vector<8x2x576xf32>
    %add3A_449 = arith.addf %slice3A_447, %slice3A_448 : vector<8x2x576xf32>
    %slice3A_450 = vector.extract_strided_slice %add3A_449 {offsets = [0, 0, 0], sizes = [8, 1, 576], strides = [1, 1, 1]} : vector<8x2x576xf32> to vector<8x1x576xf32>
    %slice3A_451 = vector.extract_strided_slice %add3A_449 {offsets = [0, 1, 0], sizes = [8, 1, 576], strides = [1, 1, 1]} : vector<8x2x576xf32> to vector<8x1x576xf32>
    %add3A_452 = arith.addf %slice3A_450, %slice3A_451 : vector<8x1x576xf32>
    %reshape3A_453 = vector.shape_cast %add3A_452 : vector<8x1x576xf32> to vector<8x576xf32>
    %slice3A_454 = vector.extract_strided_slice %reshape3A_453 {offsets = [0, 0], sizes = [1, 576], strides = [1, 1]} : vector<8x576xf32> to vector<1x576xf32>
    %slice3A_455 = vector.extract_strided_slice %reshape3A_453 {offsets = [1, 0], sizes = [1, 576], strides = [1, 1]} : vector<8x576xf32> to vector<1x576xf32>
    %add3A_456 = arith.addf %slice3A_454, %slice3A_455 : vector<1x576xf32>
    %slice3A_457 = vector.extract_strided_slice %reshape3A_453 {offsets = [2, 0], sizes = [1, 576], strides = [1, 1]} : vector<8x576xf32> to vector<1x576xf32>
    %add3A_458 = arith.addf %add3A_456, %slice3A_457 : vector<1x576xf32>
    %slice3A_459 = vector.extract_strided_slice %reshape3A_453 {offsets = [3, 0], sizes = [1, 576], strides = [1, 1]} : vector<8x576xf32> to vector<1x576xf32>
    %add3A_460 = arith.addf %add3A_458, %slice3A_459 : vector<1x576xf32>
    %slice3A_461 = vector.extract_strided_slice %reshape3A_453 {offsets = [4, 0], sizes = [1, 576], strides = [1, 1]} : vector<8x576xf32> to vector<1x576xf32>
    %add3A_462 = arith.addf %add3A_460, %slice3A_461 : vector<1x576xf32>
    %slice3A_463 = vector.extract_strided_slice %reshape3A_453 {offsets = [5, 0], sizes = [1, 576], strides = [1, 1]} : vector<8x576xf32> to vector<1x576xf32>
    %add3A_464 = arith.addf %add3A_462, %slice3A_463 : vector<1x576xf32>
    %slice3A_465 = vector.extract_strided_slice %reshape3A_453 {offsets = [6, 0], sizes = [1, 576], strides = [1, 1]} : vector<8x576xf32> to vector<1x576xf32>
    %add3A_466 = arith.addf %add3A_464, %slice3A_465 : vector<1x576xf32>
    %slice3A_467 = vector.extract_strided_slice %reshape3A_453 {offsets = [7, 0], sizes = [1, 576], strides = [1, 1]} : vector<8x576xf32> to vector<1x576xf32>
    %add3A_468 = arith.addf %add3A_466, %slice3A_467 : vector<1x576xf32>
    %sub3A_469 = arith.subf %get3A_432, %transpose3A_440 : vector<64x576xf32>
    %mul3A_470 = arith.mulf %sub3A_469, %sub3A_469 : vector<64x576xf32>
    %reshape3A_471 = vector.shape_cast %mul3A_470 : vector<64x576xf32> to vector<8x8x576xf32>
    %slice3A_472 = vector.extract_strided_slice %reshape3A_471 {offsets = [0, 0, 0], sizes = [8, 4, 576], strides = [1, 1, 1]} : vector<8x8x576xf32> to vector<8x4x576xf32>
    %slice3A_473 = vector.extract_strided_slice %reshape3A_471 {offsets = [0, 4, 0], sizes = [8, 4, 576], strides = [1, 1, 1]} : vector<8x8x576xf32> to vector<8x4x576xf32>
    %add3A_474 = arith.addf %slice3A_472, %slice3A_473 : vector<8x4x576xf32>
    %slice3A_475 = vector.extract_strided_slice %add3A_474 {offsets = [0, 0, 0], sizes = [8, 2, 576], strides = [1, 1, 1]} : vector<8x4x576xf32> to vector<8x2x576xf32>
    %slice3A_476 = vector.extract_strided_slice %add3A_474 {offsets = [0, 2, 0], sizes = [8, 2, 576], strides = [1, 1, 1]} : vector<8x4x576xf32> to vector<8x2x576xf32>
    %add3A_477 = arith.addf %slice3A_475, %slice3A_476 : vector<8x2x576xf32>
    %slice3A_478 = vector.extract_strided_slice %add3A_477 {offsets = [0, 0, 0], sizes = [8, 1, 576], strides = [1, 1, 1]} : vector<8x2x576xf32> to vector<8x1x576xf32>
    %slice3A_479 = vector.extract_strided_slice %add3A_477 {offsets = [0, 1, 0], sizes = [8, 1, 576], strides = [1, 1, 1]} : vector<8x2x576xf32> to vector<8x1x576xf32>
    %add3A_480 = arith.addf %slice3A_478, %slice3A_479 : vector<8x1x576xf32>
    %reshape3A_481 = vector.shape_cast %add3A_480 : vector<8x1x576xf32> to vector<8x576xf32>
    %slice3A_482 = vector.extract_strided_slice %reshape3A_481 {offsets = [0, 0], sizes = [1, 576], strides = [1, 1]} : vector<8x576xf32> to vector<1x576xf32>
    %slice3A_483 = vector.extract_strided_slice %reshape3A_481 {offsets = [1, 0], sizes = [1, 576], strides = [1, 1]} : vector<8x576xf32> to vector<1x576xf32>
    %add3A_484 = arith.addf %slice3A_482, %slice3A_483 : vector<1x576xf32>
    %slice3A_485 = vector.extract_strided_slice %reshape3A_481 {offsets = [2, 0], sizes = [1, 576], strides = [1, 1]} : vector<8x576xf32> to vector<1x576xf32>
    %add3A_486 = arith.addf %add3A_484, %slice3A_485 : vector<1x576xf32>
    %slice3A_487 = vector.extract_strided_slice %reshape3A_481 {offsets = [3, 0], sizes = [1, 576], strides = [1, 1]} : vector<8x576xf32> to vector<1x576xf32>
    %add3A_488 = arith.addf %add3A_486, %slice3A_487 : vector<1x576xf32>
    %slice3A_489 = vector.extract_strided_slice %reshape3A_481 {offsets = [4, 0], sizes = [1, 576], strides = [1, 1]} : vector<8x576xf32> to vector<1x576xf32>
    %add3A_490 = arith.addf %add3A_488, %slice3A_489 : vector<1x576xf32>
    %slice3A_491 = vector.extract_strided_slice %reshape3A_481 {offsets = [5, 0], sizes = [1, 576], strides = [1, 1]} : vector<8x576xf32> to vector<1x576xf32>
    %add3A_492 = arith.addf %add3A_490, %slice3A_491 : vector<1x576xf32>
    %slice3A_493 = vector.extract_strided_slice %reshape3A_481 {offsets = [6, 0], sizes = [1, 576], strides = [1, 1]} : vector<8x576xf32> to vector<1x576xf32>
    %add3A_494 = arith.addf %add3A_492, %slice3A_493 : vector<1x576xf32>
    %slice3A_495 = vector.extract_strided_slice %reshape3A_481 {offsets = [7, 0], sizes = [1, 576], strides = [1, 1]} : vector<8x576xf32> to vector<1x576xf32>
    %add3A_496 = arith.addf %add3A_494, %slice3A_495 : vector<1x576xf32>
    %get3A_497 = arith.constant 0 : index
    %get3A_498 = arith.constant 4 : index
    %get3A_499 = arith.constant 0 : index
    %get3A_500 = vector.load %arg2[%get3A_497, %get3A_498, %get3A_499] : memref<2x8x576xi32, #tpu.memory_space<vmem>>, vector<1x1x576xi32>
    %get3A_501 = vector.shape_cast %get3A_500 : vector<1x1x576xi32> to vector<1x576xi32>
    %get3A_502 = arith.constant 1 : index
    %get3A_503 = arith.constant 4 : index
    %get3A_504 = arith.constant 0 : index
    %get3A_505 = vector.load %arg2[%get3A_502, %get3A_503, %get3A_504] : memref<2x8x576xi32, #tpu.memory_space<vmem>>, vector<1x1x576xi32>
    %get3A_506 = vector.shape_cast %get3A_505 : vector<1x1x576xi32> to vector<1x576xi32>
    %lt3A_507 = arith.cmpf olt, %add3A_496, %add3A_468 : vector<1x576xf32>
    %eq3A_508 = arith.cmpf oeq, %add3A_496, %add3A_468 : vector<1x576xf32>
    %lt3A_509 = arith.cmpi slt, %get3A_506, %get3A_501 : vector<1x576xi32>
    %and3A_510 = arith.andi %eq3A_508, %lt3A_509 : vector<1x576xi1>
    %or3A_511 = arith.ori %lt3A_507, %and3A_510 : vector<1x576xi1>
    %select_n3A_512 = arith.select %or3A_511, %get3A_506, %get3A_501 : vector<1x576xi1>, vector<1x576xi32>
    %swap3A_513 = arith.constant 4 : index
    %swap3A_514 = arith.constant 0 : index
    %swap3A_515 = vector.load %arg3[%swap3A_513, %swap3A_514] : memref<8x576xi32, #tpu.memory_space<vmem>>, vector<1x576xi32>
    tpu.vector_store %arg3[%swap3A_513, %swap3A_514], %select_n3A_512 {strides = array<i32>} : memref<8x576xi32, #tpu.memory_space<vmem>>, vector<1x576xi32>,
    %broadcast_in_dim3A_516 = vector.shape_cast %or3A_511 : vector<1x576xi1> to vector<1x576xi1>
    %broadcast_in_dim3A_517 = vector.broadcast %broadcast_in_dim3A_516 : vector<1x576xi1> to vector<64x576xi1>
    %select_n3A_518 = arith.select %broadcast_in_dim3A_517, %transpose3A_440, %transpose3A_436 : vector<64x576xi1>, vector<64x576xf32>
    %swap3A_519 = arith.constant 4 : index
    %swap3A_520 = arith.constant 0 : index
    %swap3A_521 = arith.constant 0 : index
    %swap3A_522 = vector.load %arg4[%swap3A_519, %swap3A_520, %swap3A_521] : memref<8x64x576xf32, #tpu.memory_space<vmem>>, vector<1x64x576xf32>
    %swap3A_523 = vector.shape_cast %swap3A_522 : vector<1x64x576xf32> to vector<64x576xf32>
    %swap3A_524 = vector.shape_cast %select_n3A_518 : vector<64x576xf32> to vector<1x64x576xf32>
    tpu.vector_store %arg4[%swap3A_519, %swap3A_520, %swap3A_521], %swap3A_524 {strides = array<i32>} : memref<8x64x576xf32, #tpu.memory_space<vmem>>, vector<1x64x576xf32>,
    %sub3A_525 = arith.subf %select_n3A_518, %get3A_432 : vector<64x576xf32>
    %add3A_526 = arith.addf %get3A_432, %sub3A_525 : vector<64x576xf32>
    %swap3A_527 = arith.constant 4 : index
    %swap3A_528 = arith.constant 0 : index
    %swap3A_529 = arith.constant 0 : index
    %swap3A_530 = vector.load %arg5[%swap3A_527, %swap3A_528, %swap3A_529] : memref<8x64x576xf32, #tpu.memory_space<vmem>>, vector<1x64x576xf32>
    %swap3A_531 = vector.shape_cast %swap3A_530 : vector<1x64x576xf32> to vector<64x576xf32>
    %swap3A_532 = vector.shape_cast %add3A_526 : vector<64x576xf32> to vector<1x64x576xf32>
    tpu.vector_store %arg5[%swap3A_527, %swap3A_528, %swap3A_529], %swap3A_532 {strides = array<i32>} : memref<8x64x576xf32, #tpu.memory_space<vmem>>, vector<1x64x576xf32>,
    %eq3A_533 = vector.broadcast %select_n3A_512 : vector<1x576xi32> to vector<512x576xi32>
    %eq3A_534 = arith.cmpi eq, %iota3A, %eq3A_533 : vector<512x576xi32>
    %convert_element_type3A_535 = arith.extui %eq3A_534 : vector<512x576xi1> to vector<512x576xi32>
    %convert_element_type3A_536 = arith.sitofp %convert_element_type3A_535 : vector<512x576xi32> to vector<512x576xf32>
    %reduce_sum3A_537 = arith.constant dense<0.000000e+00> : vector<512xf32>
    %reduce_sum3A_538 = vector.multi_reduction <add>, %convert_element_type3A_536, %reduce_sum3A_537 [1] : vector<512x576xf32> to vector<512xf32>
    %broadcast_in_dim3A_539 = vector.shape_cast %reduce_sum3A_538 : vector<512xf32> to vector<512x1xf32>
    %add3A_540 = arith.addf %add3A_429, %broadcast_in_dim3A_539 : vector<512x1xf32>
    %get3A_541 = arith.constant 320 : index
    %get3A_542 = arith.constant 0 : index
    %get3A_543 = vector.load %arg0[%get3A_541, %get3A_542] : memref<512x576xf32, #tpu.memory_space<vmem>>, vector<64x576xf32>
    %get3A_544 = arith.constant 2880 : index
    %get3A_545 = arith.constant 0 : index
    %get3A_546 = vector.load %arg1[%get3A_544, %get3A_545] : memref<9216x128xf32, #tpu.memory_space<vmem>>, vector<576x64xf32>
    %transpose3A_547 = tpu.transpose %get3A_546, [1, 0] : vector<576x64xf32> -> vector<64x576xf32>
    %get3A_548 = arith.constant 7488 : index
    %get3A_549 = arith.constant 0 : index
    %get3A_550 = vector.load %arg1[%get3A_548, %get3A_549] : memref<9216x128xf32, #tpu.memory_space<vmem>>, vector<576x64xf32>
    %transpose3A_551 = tpu.transpose %get3A_550, [1, 0] : vector<576x64xf32> -> vector<64x576xf32>
    %sub3A_552 = arith.subf %get3A_543, %transpose3A_547 : vector<64x576xf32>
    %mul3A_553 = arith.mulf %sub3A_552, %sub3A_552 : vector<64x576xf32>
    %reshape3A_554 = vector.shape_cast %mul3A_553 : vector<64x576xf32> to vector<8x8x576xf32>
    %slice3A_555 = vector.extract_strided_slice %reshape3A_554 {offsets = [0, 0, 0], sizes = [8, 4, 576], strides = [1, 1, 1]} : vector<8x8x576xf32> to vector<8x4x576xf32>
    %slice3A_556 = vector.extract_strided_slice %reshape3A_554 {offsets = [0, 4, 0], sizes = [8, 4, 576], strides = [1, 1, 1]} : vector<8x8x576xf32> to vector<8x4x576xf32>
    %add3A_557 = arith.addf %slice3A_555, %slice3A_556 : vector<8x4x576xf32>
    %slice3A_558 = vector.extract_strided_slice %add3A_557 {offsets = [0, 0, 0], sizes = [8, 2, 576], strides = [1, 1, 1]} : vector<8x4x576xf32> to vector<8x2x576xf32>
    %slice3A_559 = vector.extract_strided_slice %add3A_557 {offsets = [0, 2, 0], sizes = [8, 2, 576], strides = [1, 1, 1]} : vector<8x4x576xf32> to vector<8x2x576xf32>
    %add3A_560 = arith.addf %slice3A_558, %slice3A_559 : vector<8x2x576xf32>
    %slice3A_561 = vector.extract_strided_slice %add3A_560 {offsets = [0, 0, 0], sizes = [8, 1, 576], strides = [1, 1, 1]} : vector<8x2x576xf32> to vector<8x1x576xf32>
    %slice3A_562 = vector.extract_strided_slice %add3A_560 {offsets = [0, 1, 0], sizes = [8, 1, 576], strides = [1, 1, 1]} : vector<8x2x576xf32> to vector<8x1x576xf32>
    %add3A_563 = arith.addf %slice3A_561, %slice3A_562 : vector<8x1x576xf32>
    %reshape3A_564 = vector.shape_cast %add3A_563 : vector<8x1x576xf32> to vector<8x576xf32>
    %slice3A_565 = vector.extract_strided_slice %reshape3A_564 {offsets = [0, 0], sizes = [1, 576], strides = [1, 1]} : vector<8x576xf32> to vector<1x576xf32>
    %slice3A_566 = vector.extract_strided_slice %reshape3A_564 {offsets = [1, 0], sizes = [1, 576], strides = [1, 1]} : vector<8x576xf32> to vector<1x576xf32>
    %add3A_567 = arith.addf %slice3A_565, %slice3A_566 : vector<1x576xf32>
    %slice3A_568 = vector.extract_strided_slice %reshape3A_564 {offsets = [2, 0], sizes = [1, 576], strides = [1, 1]} : vector<8x576xf32> to vector<1x576xf32>
    %add3A_569 = arith.addf %add3A_567, %slice3A_568 : vector<1x576xf32>
    %slice3A_570 = vector.extract_strided_slice %reshape3A_564 {offsets = [3, 0], sizes = [1, 576], strides = [1, 1]} : vector<8x576xf32> to vector<1x576xf32>
    %add3A_571 = arith.addf %add3A_569, %slice3A_570 : vector<1x576xf32>
    %slice3A_572 = vector.extract_strided_slice %reshape3A_564 {offsets = [4, 0], sizes = [1, 576], strides = [1, 1]} : vector<8x576xf32> to vector<1x576xf32>
    %add3A_573 = arith.addf %add3A_571, %slice3A_572 : vector<1x576xf32>
    %slice3A_574 = vector.extract_strided_slice %reshape3A_564 {offsets = [5, 0], sizes = [1, 576], strides = [1, 1]} : vector<8x576xf32> to vector<1x576xf32>
    %add3A_575 = arith.addf %add3A_573, %slice3A_574 : vector<1x576xf32>
    %slice3A_576 = vector.extract_strided_slice %reshape3A_564 {offsets = [6, 0], sizes = [1, 576], strides = [1, 1]} : vector<8x576xf32> to vector<1x576xf32>
    %add3A_577 = arith.addf %add3A_575, %slice3A_576 : vector<1x576xf32>
    %slice3A_578 = vector.extract_strided_slice %reshape3A_564 {offsets = [7, 0], sizes = [1, 576], strides = [1, 1]} : vector<8x576xf32> to vector<1x576xf32>
    %add3A_579 = arith.addf %add3A_577, %slice3A_578 : vector<1x576xf32>
    %sub3A_580 = arith.subf %get3A_543, %transpose3A_551 : vector<64x576xf32>
    %mul3A_581 = arith.mulf %sub3A_580, %sub3A_580 : vector<64x576xf32>
    %reshape3A_582 = vector.shape_cast %mul3A_581 : vector<64x576xf32> to vector<8x8x576xf32>
    %slice3A_583 = vector.extract_strided_slice %reshape3A_582 {offsets = [0, 0, 0], sizes = [8, 4, 576], strides = [1, 1, 1]} : vector<8x8x576xf32> to vector<8x4x576xf32>
    %slice3A_584 = vector.extract_strided_slice %reshape3A_582 {offsets = [0, 4, 0], sizes = [8, 4, 576], strides = [1, 1, 1]} : vector<8x8x576xf32> to vector<8x4x576xf32>
    %add3A_585 = arith.addf %slice3A_583, %slice3A_584 : vector<8x4x576xf32>
    %slice3A_586 = vector.extract_strided_slice %add3A_585 {offsets = [0, 0, 0], sizes = [8, 2, 576], strides = [1, 1, 1]} : vector<8x4x576xf32> to vector<8x2x576xf32>
    %slice3A_587 = vector.extract_strided_slice %add3A_585 {offsets = [0, 2, 0], sizes = [8, 2, 576], strides = [1, 1, 1]} : vector<8x4x576xf32> to vector<8x2x576xf32>
    %add3A_588 = arith.addf %slice3A_586, %slice3A_587 : vector<8x2x576xf32>
    %slice3A_589 = vector.extract_strided_slice %add3A_588 {offsets = [0, 0, 0], sizes = [8, 1, 576], strides = [1, 1, 1]} : vector<8x2x576xf32> to vector<8x1x576xf32>
    %slice3A_590 = vector.extract_strided_slice %add3A_588 {offsets = [0, 1, 0], sizes = [8, 1, 576], strides = [1, 1, 1]} : vector<8x2x576xf32> to vector<8x1x576xf32>
    %add3A_591 = arith.addf %slice3A_589, %slice3A_590 : vector<8x1x576xf32>
    %reshape3A_592 = vector.shape_cast %add3A_591 : vector<8x1x576xf32> to vector<8x576xf32>
    %slice3A_593 = vector.extract_strided_slice %reshape3A_592 {offsets = [0, 0], sizes = [1, 576], strides = [1, 1]} : vector<8x576xf32> to vector<1x576xf32>
    %slice3A_594 = vector.extract_strided_slice %reshape3A_592 {offsets = [1, 0], sizes = [1, 576], strides = [1, 1]} : vector<8x576xf32> to vector<1x576xf32>
    %add3A_595 = arith.addf %slice3A_593, %slice3A_594 : vector<1x576xf32>
    %slice3A_596 = vector.extract_strided_slice %reshape3A_592 {offsets = [2, 0], sizes = [1, 576], strides = [1, 1]} : vector<8x576xf32> to vector<1x576xf32>
    %add3A_597 = arith.addf %add3A_595, %slice3A_596 : vector<1x576xf32>
    %slice3A_598 = vector.extract_strided_slice %reshape3A_592 {offsets = [3, 0], sizes = [1, 576], strides = [1, 1]} : vector<8x576xf32> to vector<1x576xf32>
    %add3A_599 = arith.addf %add3A_597, %slice3A_598 : vector<1x576xf32>
    %slice3A_600 = vector.extract_strided_slice %reshape3A_592 {offsets = [4, 0], sizes = [1, 576], strides = [1, 1]} : vector<8x576xf32> to vector<1x576xf32>
    %add3A_601 = arith.addf %add3A_599, %slice3A_600 : vector<1x576xf32>
    %slice3A_602 = vector.extract_strided_slice %reshape3A_592 {offsets = [5, 0], sizes = [1, 576], strides = [1, 1]} : vector<8x576xf32> to vector<1x576xf32>
    %add3A_603 = arith.addf %add3A_601, %slice3A_602 : vector<1x576xf32>
    %slice3A_604 = vector.extract_strided_slice %reshape3A_592 {offsets = [6, 0], sizes = [1, 576], strides = [1, 1]} : vector<8x576xf32> to vector<1x576xf32>
    %add3A_605 = arith.addf %add3A_603, %slice3A_604 : vector<1x576xf32>
    %slice3A_606 = vector.extract_strided_slice %reshape3A_592 {offsets = [7, 0], sizes = [1, 576], strides = [1, 1]} : vector<8x576xf32> to vector<1x576xf32>
    %add3A_607 = arith.addf %add3A_605, %slice3A_606 : vector<1x576xf32>
    %get3A_608 = arith.constant 0 : index
    %get3A_609 = arith.constant 5 : index
    %get3A_610 = arith.constant 0 : index
    %get3A_611 = vector.load %arg2[%get3A_608, %get3A_609, %get3A_610] : memref<2x8x576xi32, #tpu.memory_space<vmem>>, vector<1x1x576xi32>
    %get3A_612 = vector.shape_cast %get3A_611 : vector<1x1x576xi32> to vector<1x576xi32>
    %get3A_613 = arith.constant 1 : index
    %get3A_614 = arith.constant 5 : index
    %get3A_615 = arith.constant 0 : index
    %get3A_616 = vector.load %arg2[%get3A_613, %get3A_614, %get3A_615] : memref<2x8x576xi32, #tpu.memory_space<vmem>>, vector<1x1x576xi32>
    %get3A_617 = vector.shape_cast %get3A_616 : vector<1x1x576xi32> to vector<1x576xi32>
    %lt3A_618 = arith.cmpf olt, %add3A_607, %add3A_579 : vector<1x576xf32>
    %eq3A_619 = arith.cmpf oeq, %add3A_607, %add3A_579 : vector<1x576xf32>
    %lt3A_620 = arith.cmpi slt, %get3A_617, %get3A_612 : vector<1x576xi32>
    %and3A_621 = arith.andi %eq3A_619, %lt3A_620 : vector<1x576xi1>
    %or3A_622 = arith.ori %lt3A_618, %and3A_621 : vector<1x576xi1>
    %select_n3A_623 = arith.select %or3A_622, %get3A_617, %get3A_612 : vector<1x576xi1>, vector<1x576xi32>
    %swap3A_624 = arith.constant 5 : index
    %swap3A_625 = arith.constant 0 : index
    %swap3A_626 = vector.load %arg3[%swap3A_624, %swap3A_625] : memref<8x576xi32, #tpu.memory_space<vmem>>, vector<1x576xi32>
    tpu.vector_store %arg3[%swap3A_624, %swap3A_625], %select_n3A_623 {strides = array<i32>} : memref<8x576xi32, #tpu.memory_space<vmem>>, vector<1x576xi32>,
    %broadcast_in_dim3A_627 = vector.shape_cast %or3A_622 : vector<1x576xi1> to vector<1x576xi1>
    %broadcast_in_dim3A_628 = vector.broadcast %broadcast_in_dim3A_627 : vector<1x576xi1> to vector<64x576xi1>
    %select_n3A_629 = arith.select %broadcast_in_dim3A_628, %transpose3A_551, %transpose3A_547 : vector<64x576xi1>, vector<64x576xf32>
    %swap3A_630 = arith.constant 5 : index
    %swap3A_631 = arith.constant 0 : index
    %swap3A_632 = arith.constant 0 : index
    %swap3A_633 = vector.load %arg4[%swap3A_630, %swap3A_631, %swap3A_632] : memref<8x64x576xf32, #tpu.memory_space<vmem>>, vector<1x64x576xf32>
    %swap3A_634 = vector.shape_cast %swap3A_633 : vector<1x64x576xf32> to vector<64x576xf32>
    %swap3A_635 = vector.shape_cast %select_n3A_629 : vector<64x576xf32> to vector<1x64x576xf32>
    tpu.vector_store %arg4[%swap3A_630, %swap3A_631, %swap3A_632], %swap3A_635 {strides = array<i32>} : memref<8x64x576xf32, #tpu.memory_space<vmem>>, vector<1x64x576xf32>,
    %sub3A_636 = arith.subf %select_n3A_629, %get3A_543 : vector<64x576xf32>
    %add3A_637 = arith.addf %get3A_543, %sub3A_636 : vector<64x576xf32>
    %swap3A_638 = arith.constant 5 : index
    %swap3A_639 = arith.constant 0 : index
    %swap3A_640 = arith.constant 0 : index
    %swap3A_641 = vector.load %arg5[%swap3A_638, %swap3A_639, %swap3A_640] : memref<8x64x576xf32, #tpu.memory_space<vmem>>, vector<1x64x576xf32>
    %swap3A_642 = vector.shape_cast %swap3A_641 : vector<1x64x576xf32> to vector<64x576xf32>
    %swap3A_643 = vector.shape_cast %add3A_637 : vector<64x576xf32> to vector<1x64x576xf32>
    tpu.vector_store %arg5[%swap3A_638, %swap3A_639, %swap3A_640], %swap3A_643 {strides = array<i32>} : memref<8x64x576xf32, #tpu.memory_space<vmem>>, vector<1x64x576xf32>,
    %eq3A_644 = vector.broadcast %select_n3A_623 : vector<1x576xi32> to vector<512x576xi32>
    %eq3A_645 = arith.cmpi eq, %iota3A, %eq3A_644 : vector<512x576xi32>
    %convert_element_type3A_646 = arith.extui %eq3A_645 : vector<512x576xi1> to vector<512x576xi32>
    %convert_element_type3A_647 = arith.sitofp %convert_element_type3A_646 : vector<512x576xi32> to vector<512x576xf32>
    %reduce_sum3A_648 = arith.constant dense<0.000000e+00> : vector<512xf32>
    %reduce_sum3A_649 = vector.multi_reduction <add>, %convert_element_type3A_647, %reduce_sum3A_648 [1] : vector<512x576xf32> to vector<512xf32>
    %broadcast_in_dim3A_650 = vector.shape_cast %reduce_sum3A_649 : vector<512xf32> to vector<512x1xf32>
    %add3A_651 = arith.addf %add3A_540, %broadcast_in_dim3A_650 : vector<512x1xf32>
    %get3A_652 = arith.constant 384 : index
    %get3A_653 = arith.constant 0 : index
    %get3A_654 = vector.load %arg0[%get3A_652, %get3A_653] : memref<512x576xf32, #tpu.memory_space<vmem>>, vector<64x576xf32>
    %get3A_655 = arith.constant 3456 : index
    %get3A_656 = arith.constant 0 : index
    %get3A_657 = vector.load %arg1[%get3A_655, %get3A_656] : memref<9216x128xf32, #tpu.memory_space<vmem>>, vector<576x64xf32>
    %transpose3A_658 = tpu.transpose %get3A_657, [1, 0] : vector<576x64xf32> -> vector<64x576xf32>
    %get3A_659 = arith.constant 8064 : index
    %get3A_660 = arith.constant 0 : index
    %get3A_661 = vector.load %arg1[%get3A_659, %get3A_660] : memref<9216x128xf32, #tpu.memory_space<vmem>>, vector<576x64xf32>
    %transpose3A_662 = tpu.transpose %get3A_661, [1, 0] : vector<576x64xf32> -> vector<64x576xf32>
    %sub3A_663 = arith.subf %get3A_654, %transpose3A_658 : vector<64x576xf32>
    %mul3A_664 = arith.mulf %sub3A_663, %sub3A_663 : vector<64x576xf32>
    %reshape3A_665 = vector.shape_cast %mul3A_664 : vector<64x576xf32> to vector<8x8x576xf32>
    %slice3A_666 = vector.extract_strided_slice %reshape3A_665 {offsets = [0, 0, 0], sizes = [8, 4, 576], strides = [1, 1, 1]} : vector<8x8x576xf32> to vector<8x4x576xf32>
    %slice3A_667 = vector.extract_strided_slice %reshape3A_665 {offsets = [0, 4, 0], sizes = [8, 4, 576], strides = [1, 1, 1]} : vector<8x8x576xf32> to vector<8x4x576xf32>
    %add3A_668 = arith.addf %slice3A_666, %slice3A_667 : vector<8x4x576xf32>
    %slice3A_669 = vector.extract_strided_slice %add3A_668 {offsets = [0, 0, 0], sizes = [8, 2, 576], strides = [1, 1, 1]} : vector<8x4x576xf32> to vector<8x2x576xf32>
    %slice3A_670 = vector.extract_strided_slice %add3A_668 {offsets = [0, 2, 0], sizes = [8, 2, 576], strides = [1, 1, 1]} : vector<8x4x576xf32> to vector<8x2x576xf32>
    %add3A_671 = arith.addf %slice3A_669, %slice3A_670 : vector<8x2x576xf32>
    %slice3A_672 = vector.extract_strided_slice %add3A_671 {offsets = [0, 0, 0], sizes = [8, 1, 576], strides = [1, 1, 1]} : vector<8x2x576xf32> to vector<8x1x576xf32>
    %slice3A_673 = vector.extract_strided_slice %add3A_671 {offsets = [0, 1, 0], sizes = [8, 1, 576], strides = [1, 1, 1]} : vector<8x2x576xf32> to vector<8x1x576xf32>
    %add3A_674 = arith.addf %slice3A_672, %slice3A_673 : vector<8x1x576xf32>
    %reshape3A_675 = vector.shape_cast %add3A_674 : vector<8x1x576xf32> to vector<8x576xf32>
    %slice3A_676 = vector.extract_strided_slice %reshape3A_675 {offsets = [0, 0], sizes = [1, 576], strides = [1, 1]} : vector<8x576xf32> to vector<1x576xf32>
    %slice3A_677 = vector.extract_strided_slice %reshape3A_675 {offsets = [1, 0], sizes = [1, 576], strides = [1, 1]} : vector<8x576xf32> to vector<1x576xf32>
    %add3A_678 = arith.addf %slice3A_676, %slice3A_677 : vector<1x576xf32>
    %slice3A_679 = vector.extract_strided_slice %reshape3A_675 {offsets = [2, 0], sizes = [1, 576], strides = [1, 1]} : vector<8x576xf32> to vector<1x576xf32>
    %add3A_680 = arith.addf %add3A_678, %slice3A_679 : vector<1x576xf32>
    %slice3A_681 = vector.extract_strided_slice %reshape3A_675 {offsets = [3, 0], sizes = [1, 576], strides = [1, 1]} : vector<8x576xf32> to vector<1x576xf32>
    %add3A_682 = arith.addf %add3A_680, %slice3A_681 : vector<1x576xf32>
    %slice3A_683 = vector.extract_strided_slice %reshape3A_675 {offsets = [4, 0], sizes = [1, 576], strides = [1, 1]} : vector<8x576xf32> to vector<1x576xf32>
    %add3A_684 = arith.addf %add3A_682, %slice3A_683 : vector<1x576xf32>
    %slice3A_685 = vector.extract_strided_slice %reshape3A_675 {offsets = [5, 0], sizes = [1, 576], strides = [1, 1]} : vector<8x576xf32> to vector<1x576xf32>
    %add3A_686 = arith.addf %add3A_684, %slice3A_685 : vector<1x576xf32>
    %slice3A_687 = vector.extract_strided_slice %reshape3A_675 {offsets = [6, 0], sizes = [1, 576], strides = [1, 1]} : vector<8x576xf32> to vector<1x576xf32>
    %add3A_688 = arith.addf %add3A_686, %slice3A_687 : vector<1x576xf32>
    %slice3A_689 = vector.extract_strided_slice %reshape3A_675 {offsets = [7, 0], sizes = [1, 576], strides = [1, 1]} : vector<8x576xf32> to vector<1x576xf32>
    %add3A_690 = arith.addf %add3A_688, %slice3A_689 : vector<1x576xf32>
    %sub3A_691 = arith.subf %get3A_654, %transpose3A_662 : vector<64x576xf32>
    %mul3A_692 = arith.mulf %sub3A_691, %sub3A_691 : vector<64x576xf32>
    %reshape3A_693 = vector.shape_cast %mul3A_692 : vector<64x576xf32> to vector<8x8x576xf32>
    %slice3A_694 = vector.extract_strided_slice %reshape3A_693 {offsets = [0, 0, 0], sizes = [8, 4, 576], strides = [1, 1, 1]} : vector<8x8x576xf32> to vector<8x4x576xf32>
    %slice3A_695 = vector.extract_strided_slice %reshape3A_693 {offsets = [0, 4, 0], sizes = [8, 4, 576], strides = [1, 1, 1]} : vector<8x8x576xf32> to vector<8x4x576xf32>
    %add3A_696 = arith.addf %slice3A_694, %slice3A_695 : vector<8x4x576xf32>
    %slice3A_697 = vector.extract_strided_slice %add3A_696 {offsets = [0, 0, 0], sizes = [8, 2, 576], strides = [1, 1, 1]} : vector<8x4x576xf32> to vector<8x2x576xf32>
    %slice3A_698 = vector.extract_strided_slice %add3A_696 {offsets = [0, 2, 0], sizes = [8, 2, 576], strides = [1, 1, 1]} : vector<8x4x576xf32> to vector<8x2x576xf32>
    %add3A_699 = arith.addf %slice3A_697, %slice3A_698 : vector<8x2x576xf32>
    %slice3A_700 = vector.extract_strided_slice %add3A_699 {offsets = [0, 0, 0], sizes = [8, 1, 576], strides = [1, 1, 1]} : vector<8x2x576xf32> to vector<8x1x576xf32>
    %slice3A_701 = vector.extract_strided_slice %add3A_699 {offsets = [0, 1, 0], sizes = [8, 1, 576], strides = [1, 1, 1]} : vector<8x2x576xf32> to vector<8x1x576xf32>
    %add3A_702 = arith.addf %slice3A_700, %slice3A_701 : vector<8x1x576xf32>
    %reshape3A_703 = vector.shape_cast %add3A_702 : vector<8x1x576xf32> to vector<8x576xf32>
    %slice3A_704 = vector.extract_strided_slice %reshape3A_703 {offsets = [0, 0], sizes = [1, 576], strides = [1, 1]} : vector<8x576xf32> to vector<1x576xf32>
    %slice3A_705 = vector.extract_strided_slice %reshape3A_703 {offsets = [1, 0], sizes = [1, 576], strides = [1, 1]} : vector<8x576xf32> to vector<1x576xf32>
    %add3A_706 = arith.addf %slice3A_704, %slice3A_705 : vector<1x576xf32>
    %slice3A_707 = vector.extract_strided_slice %reshape3A_703 {offsets = [2, 0], sizes = [1, 576], strides = [1, 1]} : vector<8x576xf32> to vector<1x576xf32>
    %add3A_708 = arith.addf %add3A_706, %slice3A_707 : vector<1x576xf32>
    %slice3A_709 = vector.extract_strided_slice %reshape3A_703 {offsets = [3, 0], sizes = [1, 576], strides = [1, 1]} : vector<8x576xf32> to vector<1x576xf32>
    %add3A_710 = arith.addf %add3A_708, %slice3A_709 : vector<1x576xf32>
    %slice3A_711 = vector.extract_strided_slice %reshape3A_703 {offsets = [4, 0], sizes = [1, 576], strides = [1, 1]} : vector<8x576xf32> to vector<1x576xf32>
    %add3A_712 = arith.addf %add3A_710, %slice3A_711 : vector<1x576xf32>
    %slice3A_713 = vector.extract_strided_slice %reshape3A_703 {offsets = [5, 0], sizes = [1, 576], strides = [1, 1]} : vector<8x576xf32> to vector<1x576xf32>
    %add3A_714 = arith.addf %add3A_712, %slice3A_713 : vector<1x576xf32>
    %slice3A_715 = vector.extract_strided_slice %reshape3A_703 {offsets = [6, 0], sizes = [1, 576], strides = [1, 1]} : vector<8x576xf32> to vector<1x576xf32>
    %add3A_716 = arith.addf %add3A_714, %slice3A_715 : vector<1x576xf32>
    %slice3A_717 = vector.extract_strided_slice %reshape3A_703 {offsets = [7, 0], sizes = [1, 576], strides = [1, 1]} : vector<8x576xf32> to vector<1x576xf32>
    %add3A_718 = arith.addf %add3A_716, %slice3A_717 : vector<1x576xf32>
    %get3A_719 = arith.constant 0 : index
    %get3A_720 = arith.constant 6 : index
    %get3A_721 = arith.constant 0 : index
    %get3A_722 = vector.load %arg2[%get3A_719, %get3A_720, %get3A_721] : memref<2x8x576xi32, #tpu.memory_space<vmem>>, vector<1x1x576xi32>
    %get3A_723 = vector.shape_cast %get3A_722 : vector<1x1x576xi32> to vector<1x576xi32>
    %get3A_724 = arith.constant 1 : index
    %get3A_725 = arith.constant 6 : index
    %get3A_726 = arith.constant 0 : index
    %get3A_727 = vector.load %arg2[%get3A_724, %get3A_725, %get3A_726] : memref<2x8x576xi32, #tpu.memory_space<vmem>>, vector<1x1x576xi32>
    %get3A_728 = vector.shape_cast %get3A_727 : vector<1x1x576xi32> to vector<1x576xi32>
    %lt3A_729 = arith.cmpf olt, %add3A_718, %add3A_690 : vector<1x576xf32>
    %eq3A_730 = arith.cmpf oeq, %add3A_718, %add3A_690 : vector<1x576xf32>
    %lt3A_731 = arith.cmpi slt, %get3A_728, %get3A_723 : vector<1x576xi32>
    %and3A_732 = arith.andi %eq3A_730, %lt3A_731 : vector<1x576xi1>
    %or3A_733 = arith.ori %lt3A_729, %and3A_732 : vector<1x576xi1>
    %select_n3A_734 = arith.select %or3A_733, %get3A_728, %get3A_723 : vector<1x576xi1>, vector<1x576xi32>
    %swap3A_735 = arith.constant 6 : index
    %swap3A_736 = arith.constant 0 : index
    %swap3A_737 = vector.load %arg3[%swap3A_735, %swap3A_736] : memref<8x576xi32, #tpu.memory_space<vmem>>, vector<1x576xi32>
    tpu.vector_store %arg3[%swap3A_735, %swap3A_736], %select_n3A_734 {strides = array<i32>} : memref<8x576xi32, #tpu.memory_space<vmem>>, vector<1x576xi32>,
    %broadcast_in_dim3A_738 = vector.shape_cast %or3A_733 : vector<1x576xi1> to vector<1x576xi1>
    %broadcast_in_dim3A_739 = vector.broadcast %broadcast_in_dim3A_738 : vector<1x576xi1> to vector<64x576xi1>
    %select_n3A_740 = arith.select %broadcast_in_dim3A_739, %transpose3A_662, %transpose3A_658 : vector<64x576xi1>, vector<64x576xf32>
    %swap3A_741 = arith.constant 6 : index
    %swap3A_742 = arith.constant 0 : index
    %swap3A_743 = arith.constant 0 : index
    %swap3A_744 = vector.load %arg4[%swap3A_741, %swap3A_742, %swap3A_743] : memref<8x64x576xf32, #tpu.memory_space<vmem>>, vector<1x64x576xf32>
    %swap3A_745 = vector.shape_cast %swap3A_744 : vector<1x64x576xf32> to vector<64x576xf32>
    %swap3A_746 = vector.shape_cast %select_n3A_740 : vector<64x576xf32> to vector<1x64x576xf32>
    tpu.vector_store %arg4[%swap3A_741, %swap3A_742, %swap3A_743], %swap3A_746 {strides = array<i32>} : memref<8x64x576xf32, #tpu.memory_space<vmem>>, vector<1x64x576xf32>,
    %sub3A_747 = arith.subf %select_n3A_740, %get3A_654 : vector<64x576xf32>
    %add3A_748 = arith.addf %get3A_654, %sub3A_747 : vector<64x576xf32>
    %swap3A_749 = arith.constant 6 : index
    %swap3A_750 = arith.constant 0 : index
    %swap3A_751 = arith.constant 0 : index
    %swap3A_752 = vector.load %arg5[%swap3A_749, %swap3A_750, %swap3A_751] : memref<8x64x576xf32, #tpu.memory_space<vmem>>, vector<1x64x576xf32>
    %swap3A_753 = vector.shape_cast %swap3A_752 : vector<1x64x576xf32> to vector<64x576xf32>
    %swap3A_754 = vector.shape_cast %add3A_748 : vector<64x576xf32> to vector<1x64x576xf32>
    tpu.vector_store %arg5[%swap3A_749, %swap3A_750, %swap3A_751], %swap3A_754 {strides = array<i32>} : memref<8x64x576xf32, #tpu.memory_space<vmem>>, vector<1x64x576xf32>,
    %eq3A_755 = vector.broadcast %select_n3A_734 : vector<1x576xi32> to vector<512x576xi32>
    %eq3A_756 = arith.cmpi eq, %iota3A, %eq3A_755 : vector<512x576xi32>
    %convert_element_type3A_757 = arith.extui %eq3A_756 : vector<512x576xi1> to vector<512x576xi32>
    %convert_element_type3A_758 = arith.sitofp %convert_element_type3A_757 : vector<512x576xi32> to vector<512x576xf32>
    %reduce_sum3A_759 = arith.constant dense<0.000000e+00> : vector<512xf32>
    %reduce_sum3A_760 = vector.multi_reduction <add>, %convert_element_type3A_758, %reduce_sum3A_759 [1] : vector<512x576xf32> to vector<512xf32>
    %broadcast_in_dim3A_761 = vector.shape_cast %reduce_sum3A_760 : vector<512xf32> to vector<512x1xf32>
    %add3A_762 = arith.addf %add3A_651, %broadcast_in_dim3A_761 : vector<512x1xf32>
    %get3A_763 = arith.constant 448 : index
    %get3A_764 = arith.constant 0 : index
    %get3A_765 = vector.load %arg0[%get3A_763, %get3A_764] : memref<512x576xf32, #tpu.memory_space<vmem>>, vector<64x576xf32>
    %get3A_766 = arith.constant 4032 : index
    %get3A_767 = arith.constant 0 : index
    %get3A_768 = vector.load %arg1[%get3A_766, %get3A_767] : memref<9216x128xf32, #tpu.memory_space<vmem>>, vector<576x64xf32>
    %transpose3A_769 = tpu.transpose %get3A_768, [1, 0] : vector<576x64xf32> -> vector<64x576xf32>
    %get3A_770 = arith.constant 8640 : index
    %get3A_771 = arith.constant 0 : index
    %get3A_772 = vector.load %arg1[%get3A_770, %get3A_771] : memref<9216x128xf32, #tpu.memory_space<vmem>>, vector<576x64xf32>
    %transpose3A_773 = tpu.transpose %get3A_772, [1, 0] : vector<576x64xf32> -> vector<64x576xf32>
    %sub3A_774 = arith.subf %get3A_765, %transpose3A_769 : vector<64x576xf32>
    %mul3A_775 = arith.mulf %sub3A_774, %sub3A_774 : vector<64x576xf32>
    %reshape3A_776 = vector.shape_cast %mul3A_775 : vector<64x576xf32> to vector<8x8x576xf32>
    %slice3A_777 = vector.extract_strided_slice %reshape3A_776 {offsets = [0, 0, 0], sizes = [8, 4, 576], strides = [1, 1, 1]} : vector<8x8x576xf32> to vector<8x4x576xf32>
    %slice3A_778 = vector.extract_strided_slice %reshape3A_776 {offsets = [0, 4, 0], sizes = [8, 4, 576], strides = [1, 1, 1]} : vector<8x8x576xf32> to vector<8x4x576xf32>
    %add3A_779 = arith.addf %slice3A_777, %slice3A_778 : vector<8x4x576xf32>
    %slice3A_780 = vector.extract_strided_slice %add3A_779 {offsets = [0, 0, 0], sizes = [8, 2, 576], strides = [1, 1, 1]} : vector<8x4x576xf32> to vector<8x2x576xf32>
    %slice3A_781 = vector.extract_strided_slice %add3A_779 {offsets = [0, 2, 0], sizes = [8, 2, 576], strides = [1, 1, 1]} : vector<8x4x576xf32> to vector<8x2x576xf32>
    %add3A_782 = arith.addf %slice3A_780, %slice3A_781 : vector<8x2x576xf32>
    %slice3A_783 = vector.extract_strided_slice %add3A_782 {offsets = [0, 0, 0], sizes = [8, 1, 576], strides = [1, 1, 1]} : vector<8x2x576xf32> to vector<8x1x576xf32>
    %slice3A_784 = vector.extract_strided_slice %add3A_782 {offsets = [0, 1, 0], sizes = [8, 1, 576], strides = [1, 1, 1]} : vector<8x2x576xf32> to vector<8x1x576xf32>
    %add3A_785 = arith.addf %slice3A_783, %slice3A_784 : vector<8x1x576xf32>
    %reshape3A_786 = vector.shape_cast %add3A_785 : vector<8x1x576xf32> to vector<8x576xf32>
    %slice3A_787 = vector.extract_strided_slice %reshape3A_786 {offsets = [0, 0], sizes = [1, 576], strides = [1, 1]} : vector<8x576xf32> to vector<1x576xf32>
    %slice3A_788 = vector.extract_strided_slice %reshape3A_786 {offsets = [1, 0], sizes = [1, 576], strides = [1, 1]} : vector<8x576xf32> to vector<1x576xf32>
    %add3A_789 = arith.addf %slice3A_787, %slice3A_788 : vector<1x576xf32>
    %slice3A_790 = vector.extract_strided_slice %reshape3A_786 {offsets = [2, 0], sizes = [1, 576], strides = [1, 1]} : vector<8x576xf32> to vector<1x576xf32>
    %add3A_791 = arith.addf %add3A_789, %slice3A_790 : vector<1x576xf32>
    %slice3A_792 = vector.extract_strided_slice %reshape3A_786 {offsets = [3, 0], sizes = [1, 576], strides = [1, 1]} : vector<8x576xf32> to vector<1x576xf32>
    %add3A_793 = arith.addf %add3A_791, %slice3A_792 : vector<1x576xf32>
    %slice3A_794 = vector.extract_strided_slice %reshape3A_786 {offsets = [4, 0], sizes = [1, 576], strides = [1, 1]} : vector<8x576xf32> to vector<1x576xf32>
    %add3A_795 = arith.addf %add3A_793, %slice3A_794 : vector<1x576xf32>
    %slice3A_796 = vector.extract_strided_slice %reshape3A_786 {offsets = [5, 0], sizes = [1, 576], strides = [1, 1]} : vector<8x576xf32> to vector<1x576xf32>
    %add3A_797 = arith.addf %add3A_795, %slice3A_796 : vector<1x576xf32>
    %slice3A_798 = vector.extract_strided_slice %reshape3A_786 {offsets = [6, 0], sizes = [1, 576], strides = [1, 1]} : vector<8x576xf32> to vector<1x576xf32>
    %add3A_799 = arith.addf %add3A_797, %slice3A_798 : vector<1x576xf32>
    %slice3A_800 = vector.extract_strided_slice %reshape3A_786 {offsets = [7, 0], sizes = [1, 576], strides = [1, 1]} : vector<8x576xf32> to vector<1x576xf32>
    %add3A_801 = arith.addf %add3A_799, %slice3A_800 : vector<1x576xf32>
    %sub3A_802 = arith.subf %get3A_765, %transpose3A_773 : vector<64x576xf32>
    %mul3A_803 = arith.mulf %sub3A_802, %sub3A_802 : vector<64x576xf32>
    %reshape3A_804 = vector.shape_cast %mul3A_803 : vector<64x576xf32> to vector<8x8x576xf32>
    %slice3A_805 = vector.extract_strided_slice %reshape3A_804 {offsets = [0, 0, 0], sizes = [8, 4, 576], strides = [1, 1, 1]} : vector<8x8x576xf32> to vector<8x4x576xf32>
    %slice3A_806 = vector.extract_strided_slice %reshape3A_804 {offsets = [0, 4, 0], sizes = [8, 4, 576], strides = [1, 1, 1]} : vector<8x8x576xf32> to vector<8x4x576xf32>
    %add3A_807 = arith.addf %slice3A_805, %slice3A_806 : vector<8x4x576xf32>
    %slice3A_808 = vector.extract_strided_slice %add3A_807 {offsets = [0, 0, 0], sizes = [8, 2, 576], strides = [1, 1, 1]} : vector<8x4x576xf32> to vector<8x2x576xf32>
    %slice3A_809 = vector.extract_strided_slice %add3A_807 {offsets = [0, 2, 0], sizes = [8, 2, 576], strides = [1, 1, 1]} : vector<8x4x576xf32> to vector<8x2x576xf32>
    %add3A_810 = arith.addf %slice3A_808, %slice3A_809 : vector<8x2x576xf32>
    %slice3A_811 = vector.extract_strided_slice %add3A_810 {offsets = [0, 0, 0], sizes = [8, 1, 576], strides = [1, 1, 1]} : vector<8x2x576xf32> to vector<8x1x576xf32>
    %slice3A_812 = vector.extract_strided_slice %add3A_810 {offsets = [0, 1, 0], sizes = [8, 1, 576], strides = [1, 1, 1]} : vector<8x2x576xf32> to vector<8x1x576xf32>
    %add3A_813 = arith.addf %slice3A_811, %slice3A_812 : vector<8x1x576xf32>
    %reshape3A_814 = vector.shape_cast %add3A_813 : vector<8x1x576xf32> to vector<8x576xf32>
    %slice3A_815 = vector.extract_strided_slice %reshape3A_814 {offsets = [0, 0], sizes = [1, 576], strides = [1, 1]} : vector<8x576xf32> to vector<1x576xf32>
    %slice3A_816 = vector.extract_strided_slice %reshape3A_814 {offsets = [1, 0], sizes = [1, 576], strides = [1, 1]} : vector<8x576xf32> to vector<1x576xf32>
    %add3A_817 = arith.addf %slice3A_815, %slice3A_816 : vector<1x576xf32>
    %slice3A_818 = vector.extract_strided_slice %reshape3A_814 {offsets = [2, 0], sizes = [1, 576], strides = [1, 1]} : vector<8x576xf32> to vector<1x576xf32>
    %add3A_819 = arith.addf %add3A_817, %slice3A_818 : vector<1x576xf32>
    %slice3A_820 = vector.extract_strided_slice %reshape3A_814 {offsets = [3, 0], sizes = [1, 576], strides = [1, 1]} : vector<8x576xf32> to vector<1x576xf32>
    %add3A_821 = arith.addf %add3A_819, %slice3A_820 : vector<1x576xf32>
    %slice3A_822 = vector.extract_strided_slice %reshape3A_814 {offsets = [4, 0], sizes = [1, 576], strides = [1, 1]} : vector<8x576xf32> to vector<1x576xf32>
    %add3A_823 = arith.addf %add3A_821, %slice3A_822 : vector<1x576xf32>
    %slice3A_824 = vector.extract_strided_slice %reshape3A_814 {offsets = [5, 0], sizes = [1, 576], strides = [1, 1]} : vector<8x576xf32> to vector<1x576xf32>
    %add3A_825 = arith.addf %add3A_823, %slice3A_824 : vector<1x576xf32>
    %slice3A_826 = vector.extract_strided_slice %reshape3A_814 {offsets = [6, 0], sizes = [1, 576], strides = [1, 1]} : vector<8x576xf32> to vector<1x576xf32>
    %add3A_827 = arith.addf %add3A_825, %slice3A_826 : vector<1x576xf32>
    %slice3A_828 = vector.extract_strided_slice %reshape3A_814 {offsets = [7, 0], sizes = [1, 576], strides = [1, 1]} : vector<8x576xf32> to vector<1x576xf32>
    %add3A_829 = arith.addf %add3A_827, %slice3A_828 : vector<1x576xf32>
    %get3A_830 = arith.constant 0 : index
    %get3A_831 = arith.constant 7 : index
    %get3A_832 = arith.constant 0 : index
    %get3A_833 = vector.load %arg2[%get3A_830, %get3A_831, %get3A_832] : memref<2x8x576xi32, #tpu.memory_space<vmem>>, vector<1x1x576xi32>
    %get3A_834 = vector.shape_cast %get3A_833 : vector<1x1x576xi32> to vector<1x576xi32>
    %get3A_835 = arith.constant 1 : index
    %get3A_836 = arith.constant 7 : index
    %get3A_837 = arith.constant 0 : index
    %get3A_838 = vector.load %arg2[%get3A_835, %get3A_836, %get3A_837] : memref<2x8x576xi32, #tpu.memory_space<vmem>>, vector<1x1x576xi32>
    %get3A_839 = vector.shape_cast %get3A_838 : vector<1x1x576xi32> to vector<1x576xi32>
    %lt3A_840 = arith.cmpf olt, %add3A_829, %add3A_801 : vector<1x576xf32>
    %eq3A_841 = arith.cmpf oeq, %add3A_829, %add3A_801 : vector<1x576xf32>
    %lt3A_842 = arith.cmpi slt, %get3A_839, %get3A_834 : vector<1x576xi32>
    %and3A_843 = arith.andi %eq3A_841, %lt3A_842 : vector<1x576xi1>
    %or3A_844 = arith.ori %lt3A_840, %and3A_843 : vector<1x576xi1>
    %select_n3A_845 = arith.select %or3A_844, %get3A_839, %get3A_834 : vector<1x576xi1>, vector<1x576xi32>
    %swap3A_846 = arith.constant 7 : index
    %swap3A_847 = arith.constant 0 : index
    %swap3A_848 = vector.load %arg3[%swap3A_846, %swap3A_847] : memref<8x576xi32, #tpu.memory_space<vmem>>, vector<1x576xi32>
    tpu.vector_store %arg3[%swap3A_846, %swap3A_847], %select_n3A_845 {strides = array<i32>} : memref<8x576xi32, #tpu.memory_space<vmem>>, vector<1x576xi32>,
    %broadcast_in_dim3A_849 = vector.shape_cast %or3A_844 : vector<1x576xi1> to vector<1x576xi1>
    %broadcast_in_dim3A_850 = vector.broadcast %broadcast_in_dim3A_849 : vector<1x576xi1> to vector<64x576xi1>
    %select_n3A_851 = arith.select %broadcast_in_dim3A_850, %transpose3A_773, %transpose3A_769 : vector<64x576xi1>, vector<64x576xf32>
    %swap3A_852 = arith.constant 7 : index
    %swap3A_853 = arith.constant 0 : index
    %swap3A_854 = arith.constant 0 : index
    %swap3A_855 = vector.load %arg4[%swap3A_852, %swap3A_853, %swap3A_854] : memref<8x64x576xf32, #tpu.memory_space<vmem>>, vector<1x64x576xf32>
    %swap3A_856 = vector.shape_cast %swap3A_855 : vector<1x64x576xf32> to vector<64x576xf32>
    %swap3A_857 = vector.shape_cast %select_n3A_851 : vector<64x576xf32> to vector<1x64x576xf32>
    tpu.vector_store %arg4[%swap3A_852, %swap3A_853, %swap3A_854], %swap3A_857 {strides = array<i32>} : memref<8x64x576xf32, #tpu.memory_space<vmem>>, vector<1x64x576xf32>,
    %sub3A_858 = arith.subf %select_n3A_851, %get3A_765 : vector<64x576xf32>
    %add3A_859 = arith.addf %get3A_765, %sub3A_858 : vector<64x576xf32>
    %swap3A_860 = arith.constant 7 : index
    %swap3A_861 = arith.constant 0 : index
    %swap3A_862 = arith.constant 0 : index
    %swap3A_863 = vector.load %arg5[%swap3A_860, %swap3A_861, %swap3A_862] : memref<8x64x576xf32, #tpu.memory_space<vmem>>, vector<1x64x576xf32>
    %swap3A_864 = vector.shape_cast %swap3A_863 : vector<1x64x576xf32> to vector<64x576xf32>
    %swap3A_865 = vector.shape_cast %add3A_859 : vector<64x576xf32> to vector<1x64x576xf32>
    tpu.vector_store %arg5[%swap3A_860, %swap3A_861, %swap3A_862], %swap3A_865 {strides = array<i32>} : memref<8x64x576xf32, #tpu.memory_space<vmem>>, vector<1x64x576xf32>,
    %eq3A_866 = vector.broadcast %select_n3A_845 : vector<1x576xi32> to vector<512x576xi32>
    %eq3A_867 = arith.cmpi eq, %iota3A, %eq3A_866 : vector<512x576xi32>
    %convert_element_type3A_868 = arith.extui %eq3A_867 : vector<512x576xi1> to vector<512x576xi32>
    %convert_element_type3A_869 = arith.sitofp %convert_element_type3A_868 : vector<512x576xi32> to vector<512x576xf32>
    %reduce_sum3A_870 = arith.constant dense<0.000000e+00> : vector<512xf32>
    %reduce_sum3A_871 = vector.multi_reduction <add>, %convert_element_type3A_869, %reduce_sum3A_870 [1] : vector<512x576xf32> to vector<512xf32>
    %broadcast_in_dim3A_872 = vector.shape_cast %reduce_sum3A_871 : vector<512xf32> to vector<512x1xf32>
    %add3A_873 = arith.addf %add3A_762, %broadcast_in_dim3A_872 : vector<512x1xf32>
    %div3A = arith.constant 4.608000e+03 : f32
    %div3A_874 = vector.broadcast %div3A : f32 to vector<512x1xf32>
    %div3A_875 = arith.divf %add3A_873, %div3A_874 : vector<512x1xf32>
    %add3A_876 = arith.constant 1.000000e-10 : f32
    %add3A_877 = vector.broadcast %add3A_876 : f32 to vector<512x1xf32>
    %add3A_878 = arith.addf %div3A_875, %add3A_877 : vector<512x1xf32>
    %log3A = math.log %add3A_878 : vector<512x1xf32>
    %mul3A_879 = arith.mulf %div3A_875, %log3A : vector<512x1xf32>
    %reduce_sum3A_880 = arith.constant dense<0.000000e+00> : vector<1xf32>
    %reduce_sum3A_881 = vector.multi_reduction <add>, %mul3A_879, %reduce_sum3A_880 [0] : vector<512x1xf32> to vector<1xf32>
    %broadcast_in_dim3A_882 = vector.shape_cast %reduce_sum3A_881 : vector<1xf32> to vector<1x1xf32>
    %neg3A = arith.constant 0.000000e+00 : f32
    %neg3A_883 = vector.broadcast %neg3A : f32 to vector<1x1xf32>
    %neg3A_884 = arith.subf %neg3A_883, %broadcast_in_dim3A_882 : vector<1x1xf32>
    %exp3A = math.exp %neg3A_884 : vector<1x1xf32>
    %swap3A_885 = arith.constant 0 : index
    %swap3A_886 = arith.constant 0 : index
    %swap3A_887 = vector.load %arg6[%swap3A_885, %swap3A_886] : memref<1x1xf32, #tpu.memory_space<vmem>>, vector<1x1xf32>
    tpu.vector_store %arg6[%swap3A_885, %swap3A_886], %exp3A {strides = array<i32>} : memref<1x1xf32, #tpu.memory_space<vmem>>, vector<1x1xf32>,
    return
  }
}

</mosaic_0001>

<sc_bundles>
// kernel: kernel.6.cloned.1.call-start
scs
__scs_entry_jumppad:
0x0: {  	(pc) =	sbr.rel $0x88, $3  }
0x1: {  	(tag) =	ssettag $0x0;
	lr =	simm.s32 $0x1  }
0x2: {  	[smem:$0x3F9F] =	sst lr;
	_ =	strace $0xD0000000  }
0x3: {  	_ = 	snop  }
0x4: {  	_ = 	snop  }
0x5: {  	_ = 	snop  }
0x6: {  	_ = 	snop  }
0x7: {  	_ = 	snop  }
__scs_overlays_trampoline_lowered:
0x8: {  	[smem:$0x3FAE] =	sst s0  }
0x9: {  	[smem:$0x3FAF] =	sst s1  }
0xa: {  	[smem:$0x3FB0] =	sst s2  }
0xb: {  	[smem:$0x3FB1] =	sst s3  }
0xc: {  	[smem:$0x3FB2] =	sst s4  }
0xd: {  	[smem:$0x3FB3] =	sst s5  }
0xe: {  	[smem:$0x3FB4] =	sst s6  }
0xf: {  	[smem:$0x3FB5] =	sst s7  }
0x10: {  	[smem:$0x3FB6] =	sst s8  }
0x11: {  	[smem:$0x3FB7] =	sst s9;
	s0 =	simm.s32 @!p0 $0x0  }
0x12: {  	s1 =	sld [smem:$0x3F9D];
	s0 =	simm.s32 @p0 $0x1  }
0x13: {  	[smem:$0x3FB8] =	sst s0;
	s0 =	simm.s32 @!p1 $0x0  }
0x14: {  	s2 =	sld [smem:$0x3F9C];
	s0 =	simm.s32 @p1 $0x1  }
0x15: {  	[smem:$0x3FB9] =	sst s0;
	s0 =	simm.s32 @!p2 $0x0  }
0x16: {  	s3 =	sld [smem:$0x3FDB];
	s0 =	simm.s32 @p2 $0x1  }
0x17: {  	s4 =	simm.s32 $0x1BF5;
	[smem:$0x3FBB] =	sst s0  }
0x18: {  	s0 =	sld [smem:$0x3F9E];
	_ =	swait.ge [sflag:s4], $0x0  }
0x19: {  	s7 =	sld [smem:$0x3F9F]  }
0x1a: {  	s8 =	sadd.s32 $0xFFFFE003, lr  }
0x1b: {  	s9 =	sadd.s32 $0xFFFFFEF7, lr;
	s5 =	simm.s32 $0xFFFFFFFF;
	p2 =	slt.u32 s8, $0xFFFFF086  }
0x1c: {  	p1 =	slt.u32 s9, $0xF7A;
	s5 =	simm.s32 @!p2 $0x0  }
0x1d: {  	s5 =	simm.s32 @p1 $0x1;
	p0 =	seq.s32 s7, s2  }
0x1e: {  	s7 =	smul.u32 @!p0 $0xF7A, s2;
	p2 =	seq.s32 @!p0 s5, $0x0  }
0x1f: {  	s9 =	smul.u32 $0xF7A, s1;
	s8 =	simm.s32 @!p0 $0x1BF5;
	p2 =	por !p2, p0  }
0x20: {  	[sflag:s8] =	ssyncset.s32 @!p0 $0xFFFFF086;
	s6 =	sadd.s32 @!p0 s3, s7;
	s7 =	simm.s32 @!p0 $0x108  }
0x21: {  	s3 =	sadd.s32 s3, s9;
	s6 =	sadd.s32 @!p0 $0x88, s6;
	s7 =	simm.s32 @p2 $0x1082  }
0x22: {  	[simem:s7], [sflag:s8] =	dma.local @!p0 [hbm:s6], $0xF7A  }
0x23: {  	s9 =	sor.u32 $0xD0000000, s2;
	s6 =	simm.s32 $0x108;
	_ =	swait.ge @!p0 [sflag:s8], $0x0  }
0x24: {  	s3 =	sadd.s32 $0x88, s3;
	s6 =	simm.s32 @!p1 $0x1082;
	[sflag:s4] =	ssyncset.s32 $0xFFFFF086  }
0x25: {  	[simem:s6], [sflag:s4] =	dma.local [hbm:s3], $0xF7A  }
0x26: {  	[smem:$0x3F9F] =	sst s1;
	(tag) =	ssettag s2;
	_ =	strace s9  }
0x27: {  	s1 =	sld [smem:$0x3FAF]  }
0x28: {  	s2 =	sld [smem:$0x3FB0]  }
0x29: {  	s4 =	sld [smem:$0x3FB2]  }
0x2a: {  	p0 =	seq.s32 s5, $0x0;
	s5 =	sld [smem:$0x3FB3]  }
0x2b: {  	s6 =	sld [smem:$0x3FB4]  }
0x2c: {  	s7 =	sld [smem:$0x3FB5]  }
0x2d: {  	s3 =	simm.s32 $0x108;
	s8 =	sld [smem:$0x3FB6]  }
0x2e: {  	s3 =	simm.s32 @!p0 $0x1082;
	s9 =	sld [smem:$0x3FB7]  }
0x2f: {  	lr =	sadd.s32 s0, s3;
	s0 =	sld [smem:$0x3FAE]  }
0x30: {  	s3 =	sld [smem:$0x3FB1]  }
0x31: {  	[smem:$0x3FBA] =	sst s10  }
0x32: {  	s10 =	sld [smem:$0x3FB8];
	_ =	sdelay $0x3  }
0x33: {  	p0 =	seq.s32 s10, $0x1;
	s10 =	sld [smem:$0x3FBA];
	_ =	sdelay $0x3  }
0x34: {  	[smem:$0x3FBA] =	sst s10  }
0x35: {  	s10 =	sld [smem:$0x3FB9];
	_ =	sdelay $0x3  }
0x36: {  	p1 =	seq.s32 s10, $0x1;
	s10 =	sld [smem:$0x3FBA];
	_ =	sdelay $0x3  }
0x37: {  	[smem:$0x3FBA] =	sst s10  }
0x38: {  	s10 =	sld [smem:$0x3FBB]  }
0x39: {  	_ = 	snop;
	(pc) =	sbr.ind lr, $3  }
0x3a: {  	_ = 	snop  }
0x3b: {  	_ = 	snop  }
0x3c: {  	p2 =	seq.s32 s10, $0x1;
	s10 =	sld [smem:$0x3FBA]  }
0x3d: {  	_ =	shalt  }
0x3e: {  	_ =	shalt  }
0x3f: {  	_ =	shalt  }
0x40: {  	_ =	shalt  }
0x41: {  	_ =	shalt  }
0x42: {  	_ =	shalt  }
0x43: {  	_ =	shalt  }
0x44: {  	_ =	shalt  }
0x45: {  	_ =	shalt  }
0x46: {  	_ =	shalt  }
0x47: {  	_ =	shalt  }
0x48: {  	_ =	shalt  }
0x49: {  	_ =	shalt  }
0x4a: {  	_ =	shalt  }
0x4b: {  	_ =	shalt  }
0x4c: {  	_ =	shalt  }
0x4d: {  	_ =	shalt  }
0x4e: {  	_ =	shalt  }
0x4f: {  	_ =	shalt  }
0x50: {  	_ =	shalt  }
0x51: {  	_ =	shalt  }
0x52: {  	_ =	shalt  }
0x53: {  	_ =	shalt  }
0x54: {  	_ =	shalt  }
0x55: {  	_ =	shalt  }
0x56: {  	_ =	shalt  }
0x57: {  	_ =	shalt  }
0x58: {  	_ =	shalt  }
0x59: {  	_ =	shalt  }
0x5a: {  	_ =	shalt  }
0x5b: {  	_ =	shalt  }
0x5c: {  	_ =	shalt  }
0x5d: {  	_ =	shalt  }
0x5e: {  	_ =	shalt  }
0x5f: {  	_ =	shalt  }
0x60: {  	_ =	shalt  }
0x61: {  	_ =	shalt  }
0x62: {  	_ =	shalt  }
0x63: {  	_ =	shalt  }
0x64: {  	_ =	shalt  }
0x65: {  	_ =	shalt  }
0x66: {  	_ =	shalt  }
0x67: {  	_ =	shalt  }
0x68: {  	_ =	shalt  }
0x69: {  	_ =	shalt  }
0x6a: {  	_ =	shalt  }
0x6b: {  	_ =	shalt  }
0x6c: {  	_ =	shalt  }
0x6d: {  	_ =	shalt  }
0x6e: {  	_ =	shalt  }
0x6f: {  	_ =	shalt  }
0x70: {  	_ =	shalt  }
0x71: {  	_ =	shalt  }
0x72: {  	_ =	shalt  }
0x73: {  	_ =	shalt  }
0x74: {  	_ =	shalt  }
0x75: {  	_ =	shalt  }
0x76: {  	_ =	shalt  }
0x77: {  	_ =	shalt  }
0x78: {  	_ =	shalt  }
0x79: {  	_ =	shalt  }
0x7a: {  	_ =	shalt  }
0x7b: {  	_ =	shalt  }
0x7c: {  	_ =	shalt  }
0x7d: {  	_ =	shalt  }
0x7e: {  	_ =	shalt  }
0x7f: {  	_ =	shalt  }
0x80: {  	_ =	shalt  }
0x81: {  	_ =	shalt  }
0x82: {  	_ =	shalt  }
0x83: {  	_ =	shalt  }
0x84: {  	_ =	shalt  }
0x85: {  	_ =	shalt  }
0x86: {  	_ =	shalt  }
0x87: {  	_ =	shalt  }
.Lfunc_end0:
.L_simem_size_0:
called_computation_lowered:
.L_overlay_start_0:
0x88: {  	s2 =	sld [smem:$0x3FD9]  }
0x89: {  	s3 =	sld [smem:$0x3FFE];
	_ =	sdelay $0x1  }
0x8a: {  	s1 =	srdreg.scid  }
0x8b: {  	s0 =	sand.u32 $0x1, s1  }
0x8c: {  	s14 =	sshll.u32 s0, $0xA;
	s2 =	sadd.s32 s3, s2  }
0x8d: {  	s2 =	sadd.s32 s2, s14  }
0x8e: {  	[smem:$0x3FC6] =	sst s2  }
0x8f: {  	_ = 	snop  }
0x90: {  	s2 =	sld [smem:$0x3FD0];
	_ =	sdelay $0x2  }
0x91: {  	s15 =	simm.s32 $0xA;
	s4 =	simm.s32 $0x10  }
0x92: {  	[smem:s4], [sflag:s15] =	dma.local [hbm:s2], $0x1  }
0x93: {  	_ =	swait.eq [sflag:s15], $0x1  }
0x94: {  	[sflag:s15] =	ssyncset.done $0x0  }
0x95: {  	s16 =	sld [smem:$0x15];
	[sflag:s15] =	ssyncadd.s32 $0xFFFFFFFF  }
0x96: {  	s17 =	sld [smem:$0x16];
	(tm) =	ssettm $0x1  }
0x97: {  	s18 =	sld [smem:$0x3FFB];
	_ =	sdelay $0x3  }
0x98: {  	_ =	strace s18  }
0x99: {  	s4 =	sld [smem:$0x3FFC];
	_ =	sdelay $0x3  }
0x9a: {  	_ =	strace s4  }
0x9b: {  	s4 =	sld [smem:$0x3FFD];
	_ =	sdelay $0x3  }
0x9c: {  	_ =	strace s4  }
0x9d: {  	_ =	strace $0x8FFFFFFF  }
0x9e: {  	s19 =	sld [smem:$0x3FDB];
	_ =	sdelay $0x1  }
0x9f: {  	s5 =	simm.s32 $_scs_section_size  }
0xa0: {  	s6 =	simm.s32 $_size__tile_overlayer_lowered;
	s7 =	simm.s32 $_tile_overlayer_lowered  }
0xa1: {  	s22 =	simm.s32 $0x1BFF;
	s21 =	sshll.u32 s7, $0x1;
	s4 =	sadd.s32 s5, s19  }
0xa2: {  	s8 =	simm.s32 $0x0;
	s20 =	sshll.u32 s6, $0x1;
	s6 =	sadd.s32 s21, s4  }
0xa3: {  	[timem:s8], [sflag:s22] =	dma.local [hbm:s6], s20  }
0xa4: {  	_ =	swait.ge [sflag:s22], s20  }
0xa5: {  	s5 =	ssub.s32 $0x0, s20;
	[sflag:s22] =	ssyncset.done $0x0  }
0xa6: {  	[sflag:s22] =	ssyncadd.s32 s5;
	_ =	sdelay $0x1  }
0xa7: {  	s23 =	simm.s32 $0x1B8B  }
0xa8: {  	_ =	swait.ge [sflag:s23], $0x1  }
0xa9: {  	[sflag:s23] =	ssyncset.done $0x0  }
0xaa: {  	s25 =	simm.s32 $0x1B8E;
	s24 =	sld [smem:$0x3FFE];
	[sflag:s23] =	ssyncadd.s32 $0xFFFFFFFF  }
0xab: {  	s26 =	simm.s32 $execute0_lowered;
	[smem:$0x3FD2] =	sst s25  }
0xac: {  	s6 =	sshll.u32 s26, $0x1;
	_ =	strace $0x80000046;
	[dreg:$0x1] =	wrdreg $0xFFFFFFFF  }
0xad: {  	s28 =	simm.s32 $_size_execute0_lowered;
	s4 =	sadd.s32 s4, s6;
	[dreg:$0x0] =	wrdreg $0x0  }
0xae: {  	s6 =	sshll.u32 s28, $0x1;
	[dreg:$0x2] =	wrdreg s4  }
0xaf: {  	[dreg:$0x3] =	wrdreg s6  }
0xb0: {  	[dreg:$0x4] =	wrdreg $0xC0  }
0xb1: {  	_ =	task [dreg:s8], $0x5FFFF  }
0xb2: {  	[dreg:$0x1] =	wrdreg $0xFFFFFFFF  }
0xb3: {  	[dreg:$0x0] =	wrdreg $0x60  }
0xb4: {  	[dreg:$0x2] =	wrdreg s17  }
0xb5: {  	[dreg:$0x3] =	wrdreg s16  }
0xb6: {  	[dreg:$0x4] =	wrdreg s24  }
0xb7: {  	[dreg:$0x5] =	wrdreg $0x9  }
0xb8: {  	_ =	task.clear_ibuf [dreg:s8], $0x6FFFF;
	_ =	strace $0x90000046  }
0xb9: {  	s29 =	simm.s32 $0x9;
	_ =	strace $0x80000048  }
0xba: {  	_ =	swait.ge [sflag:s29], $0x1  }
0xbb: {  	[sflag:s29] =	ssyncadd.s32 $0xFFFFFFFF  }
0xbc: {  	_ =	strace $0x90000048  }
0xbd: {  	_ =	sfence  }
0xbe: {  	s30 =	sld [smem:$0x0];
	_ =	sdelay $0x2  }
0xbf: {  	s31 =	sshll.u32 s1, $0xD;
	s1 =	sshrl.u32 s1, $0x2  }
0xc0: {  	s3 =	sand.u32 $0x4000, s31;
	s1 =	sadd.s32 s1, s30  }
0xc1: {  	s0 =	sor.u32 s3, s0;
	s1 =	sshll.u32 s1, $0x11  }
0xc2: {  	s0 =	sor.u32 s1, s0  }
0xc3: {  	s0 =	sadd.s32 $0x8F2B, s0  }
0xc4: {  	[sflag:s0] =	ssyncadd.remote.s32 $0x1  }
0xc5: {  	_ =	sfence.sel $0xFFFF  }
0xc6: {  	[dreg:$0x0] =	wrdreg $0xFFFFFFFF;
	(pc) =	sbr.abs _section_cstart, $3  }
0xc7: {  	[dreg:$0x1] =	wrdreg $0xFFFFFFFF  }
0xc8: {  	_ =	task.clear_ibuf [dreg:s8], $0x2FFFF;
	_ =	strace $0x9FFFFFFF  }
0xc9: {  	(tm) =	ssettm $0x7FFFFFFF  }
tec
execute0_lowered:
.L_overlay_start_1:
0x0: {  	(tag) =	ssettag $0x1  }
0x1: {  	s1 =	rddreg [dreg:$0x0]  }
0x2: {  	s2 =	srdreg.scid;
	s0 =	stileid.u32  }
0x3: {  	s4 =	rddreg [dreg:$0x1];
	s6 =	sand.u32 $0x1, s2;
	s30 =	sshll.u32 s0, $0x1  }
0x4: {  	s9 =	rddreg [dreg:$0x2];
	s3 =	simm.s32 $0x0;
	s7 =	sor.u32 s6, s30  }
0x5: {  	s8 =	simm.s32 $0x1;
	[smem:$0x7FF] =	sst s3;
	s5 =	smul.u32 $0x24, s7  }
0x6: {  	s2 =	rddreg [dreg:$0x3];
	_ =	strace $0x80000047;
	s11 =	ssub.s32 $0x2, s6  }
0x7: {  	s6 =	simm.s32 $0x120;
	s5 =	sadd.s32 s4, s5;
	s4 =	simm.s32 $0x2  }
0x8: {  	[tilespmem:s3], [sflag:$0x2] =	stream.linear.gather [hbm4b:s5+s3], $0x120, $0x38;
	[tilespmem:$0x9180] =	vst v63  }
0x9: {  	s10 =	smul.u32 $0x1200, s7;
	s12 =	sshrl.u32 s11, $0x1;
	_ =	swait.ge [sflag:s4], $0x120  }
0xa: {  	s7 =	simm.s32 $0x180;
	s31 =	ssub.s32 s11, s12;
	[sflag:s4] =	ssyncset.done $0x0  }
0xb: {  	s9 =	sadd.s32 s10, s9;
	s10 =	smax.u32 s31, $0x1;
	[sflag:s4] =	ssyncadd.s32 $0xFFFFFEE0  }
0xc: {  	[tilespmem:s7], [sflag:$0x1] =	stream.indirect.gather [hbm4b:s1+s6], $0x80, s3, s6, $0xb8;
	[tilespmem:$0x9180] =	vst v63  }
0xd: {  	p0 =	sne.s32 s10, $0x1;
	_ =	swait.ge [sflag:s8], $0x9000  }
.Ltmp0:
0xe: {  	[sflag:s8] =	ssyncset.done $0x0;
	(pc) =	sbr.rel @!p0 .LBB2_2-.Ltmp0, $4  }
0xf: {  	s9 =	sadd.s32 $0x1600, s9;
	[sflag:s8] =	ssyncadd.s32 $0xFFFF7000  }
0x10: {  	[hbm4b:s9+s3] =	stream.linear.scatter [tilespmem:s7], [sflag:$0x2], $0x9000, $0x38;
	[tilespmem:$0x9180] =	vst v63  }
0x11: {  	_ =	swait.ge [sflag:s4], $0x9000  }
0x12: {  	s10 =	sadd.s32 $0xFFFFFFFF, s10;
	[sflag:s4] =	ssyncset.done $0x0  }
.LBB2_1:
0x13: {  	p0 =	sne.s32 s10, $0x1;
	s10 =	sadd.s32 $0xFFFFFFFF, s10;
	[sflag:s4] =	ssyncadd.s32 $0xFFFF7000  }
0x14: {  	[tilespmem:s3], [sflag:$0x2] =	stream.linear.gather [hbm4b:s5+s3], $0x120, $0x38;
	[tilespmem:$0x9180] =	vst v63  }
0x15: {  	_ =	swait.ge [sflag:s4], $0x120  }
0x16: {  	[sflag:s4] =	ssyncset.done $0x0  }
0x17: {  	[sflag:s4] =	ssyncadd.s32 $0xFFFFFEE0  }
0x18: {  	[tilespmem:s7], [sflag:$0x1] =	stream.indirect.gather [hbm4b:s1+s6], $0x80, s3, s6, $0xb8;
	[tilespmem:$0x9180] =	vst v63  }
0x19: {  	_ =	swait.ge [sflag:s8], $0x9000  }
.Ltmp1:
0x1a: {  	[sflag:s8] =	ssyncset.done $0x0;
	(pc) =	sbr.rel @p0 .LBB2_1-.Ltmp1, $4  }
0x1b: {  	[sflag:s8] =	ssyncadd.s32 $0xFFFF7000  }
0x1c: {  	[hbm4b:s9+s3] =	stream.linear.scatter [tilespmem:s7], [sflag:$0x2], $0x9000, $0x38;
	[tilespmem:$0x9180] =	vst v63  }
0x1d: {  	_ =	swait.ge [sflag:s4], $0x9000  }
0x1e: {  	[sflag:s4] =	ssyncset.done $0x0  }
.LBB2_2:
0x1f: {  	[sflag:s4] =	ssyncadd.s32 $0xFFFF7000  }
0x20: {  	_ =	sfence.sel $0x180000  }
0x21: {  	[bflag:$0x0] =	sbarrier.arrive $0xFFFF  }
0x22: {  	p0 =	sne.s32 s0, $0x0;
	_ =	strace $0x90000047  }
0x23: {  	s0 =	sadd.s32 @!p0 $0x100000, s2;
	[bflag:$0x2] =	sbarrier.arrive $0xFFFF  }
0x24: {  	[sflag:s0] =	ssyncadd.tile.s32 @!p0 $0x1;
	_ =	shalt  }
.Lfunc_end2:
_tile_overlayer_lowered:
.L_overlay_start_2:
0x25: {  	(tag) =	ssettag $0x2  }
0x26: {  	s0 =	rddreg [dreg:$0x0];
	s2 =	stileid.u32  }
0x27: {  	s1 =	rddreg [dreg:$0x1];
	p0 =	sne.s32 s2, $0x0  }
0x28: {  	s3 =	rddreg [dreg:$0x2];
	[bflag:$0x3] =	sbarrier.arrive $0xFFFF;
	s2 =	simm.s32 @!p0 $0x1C02  }
0x29: {  	[timem:s3], [sflag:s2] =	dma.local @!p0 [hbm:s0], s1  }
0x2a: {  	s0 =	simm.s32 @!p0 $0x2  }
0x2b: {  	_ =	swait.ge @!p0 [sflag:s0], s1  }
0x2c: {  	s1 =	ssub.s32 @!p0 $0x0, s1;
	[sflag:s0] =	ssyncset.done @!p0 $0x0  }
0x2d: {  	[sflag:s0] =	ssyncadd.s32 @!p0 s1  }
0x2e: {  	[bflag:$0x3] =	sbarrier.arrive $0xFFFF  }
0x2f: {  	_ =	shalt  }

</sc_bundles>
